<compile_context>
chip_gen: v7x
topology: tpu7x:2x2x1
jax: 0.10.2.dev20260603
libtpu: 0.0.44.dev20260713+nightly
codegen_flags: <defaults>
</compile_context>

<pallas_src>
import jax
import jax.numpy as jnp
from jax.experimental import pallas as pl
from jax.experimental.pallas import tpu as pltpu
from jax.experimental.pallas import tpu_sc as plsc

N_E = 8192
C = 32
N_CB = 2
BETA = 0.25
EPS = 1e-12
ST = 2048
N_ST = N_E // ST
GW = 256
GP = 128


def _rownorm(x):
    return x / jnp.maximum(jnp.sqrt(jnp.sum(x * x, axis=1, keepdims=True)), EPS)


def _dist_kernel(z_ref, w_ref, idx_ref, wn0_ref, wn_ref, s0_ref, s1_ref):
    p = pl.program_id(0)

    @pl.when(p == 0)
    def _():
        wn_ref[...] = _rownorm(w_ref[...])
        wn0_ref[...] = jnp.zeros_like(wn0_ref)
        wn0_ref[:, 0:C] = wn_ref[0:N_E, :]

    z = z_ref[0]
    n = z.shape[0]
    zn = (_rownorm(z[:, :C]).T, _rownorm(z[:, C:]).T)
    dnums = (((1,), (0,)), ((), ()))

    sbufs = (s0_ref, s1_ref)
    best = {}
    for f in range(N_CB):
        best[f] = (jnp.full((1, n), -jnp.inf, jnp.float32),
                   jnp.zeros((1, n), jnp.int32))
    iota = jax.lax.broadcasted_iota(jnp.int32, (ST, n), 0).astype(jnp.float32)
    big = jnp.float32(N_CB * N_E)
    k = 0
    for ch in range(N_E // ST):
        for f in range(N_CB):
            sb = sbufs[k % 2]
            k += 1
            lo = f * N_E + ch * ST
            sb[...] = jax.lax.dot_general(wn_ref[lo:lo + ST, :], zn[f], dnums,
                                          preferred_element_type=jnp.float32)
            s = sb[...]
            m = jnp.max(s, axis=0, keepdims=True)
            ti = jnp.min(jnp.where(s == m, iota, big),
                         axis=0, keepdims=True).astype(jnp.int32) + ch * ST
            best_m, best_i = best[f]
            upd = m > best_m
            best[f] = (jnp.where(upd, m, best_m), jnp.where(upd, ti, best_i))
    for f in range(N_CB):
        idx_ref[0, f, :] = best[f][1][0]


def _epi_kernel(z_ref, zq_ref, out_ref, loss_ref):
    p = pl.program_id(0)
    z = z_ref[0]
    zn0 = _rownorm(z[:, :C])
    zn1 = _rownorm(z[:, C:])
    zq0 = zq_ref[0, 0][:, :C]
    zq1 = zq_ref[0, 1][:, :C]
    out_ref[0] = jnp.concatenate([zn0 + (zq0 - zn0), zn1 + (zq1 - zn1)], axis=1)
    part = (jnp.sum((zq0 - zn0) ** 2, axis=(0, 1), keepdims=True)
            + jnp.sum((zq1 - zn1) ** 2, axis=(0, 1), keepdims=True))

    @pl.when(p == 0)
    def _():
        loss_ref[...] = part

    @pl.when(p > 0)
    def _():
        loss_ref[...] += part


def _sc_gather(wn0, idx_flat):
    num = idx_flat.shape[1]
    mesh = plsc.VectorSubcoreMesh(core_axis_name="c", subcore_axis_name="s")

    @pl.kernel(out_type=jax.ShapeDtypeStruct((num, GP), jnp.float32), mesh=mesh)
    def gk(wn0_hbm, i_hbm, o_hbm):
        def gbody(i_vmem, o_vmem):
            pltpu.sync_copy(wn0_hbm.at[i_vmem.at[0]], o_vmem)

        pltpu.emit_pipeline(
            gbody,
            grid=(num // GW,),
            in_specs=[pl.BlockSpec((1, GW), index_map=lambda i: (0, i))],
            out_specs=[pl.BlockSpec((GW, GP), index_map=lambda i: (i, 0))],
            core_axis_name=("c", "s"),
            dimension_semantics=(pltpu.PARALLEL,),
        )(i_hbm, o_hbm)

    return gk(wn0, idx_flat)


def kernel(z, W):
    bs, n, e_dim = z.shape
    idx, wn0 = pl.pallas_call(
        _dist_kernel,
        grid=(bs,),
        in_specs=[
            pl.BlockSpec((1, n, e_dim), lambda p: (p, 0, 0)),
            pl.BlockSpec((N_CB * N_E, C), lambda p: (0, 0)),
        ],
        out_specs=[
            pl.BlockSpec((1, N_CB, n), lambda p: (p, 0, 0)),
            pl.BlockSpec((N_E, GP), lambda p: (0, 0)),
        ],
        out_shape=[
            jax.ShapeDtypeStruct((bs, N_CB, n), jnp.int32),
            jax.ShapeDtypeStruct((N_E, GP), jnp.float32),
        ],
        scratch_shapes=[pltpu.VMEM((N_CB * N_E, C), jnp.float32),
                        pltpu.VMEM((ST, n), jnp.float32),
                        pltpu.VMEM((ST, n), jnp.float32)],
    )(z, W)

    zq = _sc_gather(wn0, idx.reshape(1, bs * N_CB * n))
    zq4 = zq.reshape(bs, N_CB, n, GP)

    out, loss = pl.pallas_call(
        _epi_kernel,
        grid=(bs,),
        in_specs=[
            pl.BlockSpec((1, n, e_dim), lambda p: (p, 0, 0)),
            pl.BlockSpec((1, N_CB, n, GP), lambda p: (p, 0, 0, 0)),
        ],
        out_specs=[
            pl.BlockSpec((1, n, e_dim), lambda p: (p, 0, 0)),
            pl.BlockSpec((1, 1), lambda p: (0, 0)),
        ],
        out_shape=[
            jax.ShapeDtypeStruct((bs, n, e_dim), jnp.float32),
            jax.ShapeDtypeStruct((1, 1), jnp.float32),
        ],
    )(z, zq4)

    loss_val = loss[0, 0] * (BETA + 1.0) / (bs * N_CB * n * C)
    return out, loss_val, idx

# --- scband reference (transcript-rebuilt; emitter-appended) ---
"""Pipeline reference for scband-slot-vector-quantizer-2869038154047 (READ-ONLY COPY).

The authoritative reference and input builder live on the scoring server;
editing this copy changes nothing except your own understanding.
"""

import jax, jax.numpy as jnp
import numpy as np

N_E = 8192
E_DIM = 64
N_CODEBOOK = 2
BETA = 0.25


def l2norm(x):
    n = jnp.linalg.norm(x, axis=-1, keepdims=True)
    return x / jnp.maximum(n, 1e-12)


def setup_inputs(seed: int = 0) -> dict:
    key = jax.random.key(seed)
    k1, k2 = jax.random.split(key)
    z = jax.random.normal(k1, (4, 1024, E_DIM), dtype=jnp.float32)
    # nn.Embedding(2*n_e, e_dim//2) with .normal_() init
    W = jax.random.normal(k2, (N_CODEBOOK * N_E, E_DIM // N_CODEBOOK), dtype=jnp.float32)
    return {"z": z, "W": W}


def reference(z, W):
    bs, n, e_dim = z.shape
    c = e_dim // N_CODEBOOK
    # rearrange 'b n (f c) -> b f n c'
    zr = jnp.transpose(z.reshape(bs, n, N_CODEBOOK, c), (0, 2, 1, 3))
    # rearrange '(b f) ... -> b f ...' with b=n_codebook, f=n_e, then repeat over batch
    protos = W.reshape(N_CODEBOOK, N_E, c)
    protos = jnp.broadcast_to(protos[None], (bs, N_CODEBOOK, N_E, c))
    zn = l2norm(zr)
    en = l2norm(protos)
    d = 2.0 - 2.0 * jnp.einsum('bfnc,bfmc->bfnm', zn, en)
    encoding_indices = jnp.argmin(d, axis=-1)  # [bs, 2, n], values in [0, n_e)
    # faithful to original: embedding lookup uses raw argmin indices into full 2*n_e table
    z_q = l2norm(jnp.take(W, encoding_indices, axis=0))
    loss = BETA * jnp.mean((jax.lax.stop_gradient(z_q) - zn) ** 2) + jnp.mean((z_q - jax.lax.stop_gradient(zn)) ** 2)
    z_q_st = zn + jax.lax.stop_gradient(z_q - zn)
    out = jnp.transpose(z_q_st, (0, 2, 1, 3)).reshape(bs, n, e_dim)
    return (out, loss, encoding_indices)

if __name__ == "__main__":
    import jax
    _d = setup_inputs()
    print(jax.jit(kernel)(*tuple(_d.values())))

</pallas_src>

<mosaic_0001>
#map = affine_map<(d0, d1) -> (0, 0)>
module attributes {stable_mosaic.version = 14 : i64} {
  func.func @gk(%arg0: i32, %arg1: i32, %arg2: memref<8192x128xf32, #tpu.memory_space<hbm>>, %arg3: memref<1x8192xi32, #tpu.memory_space<hbm>>, %arg4: memref<8192x128xf32, #tpu.memory_space<hbm>>) attributes {dimension_semantics = [#tpu.dimension_semantics<core_parallel>, #tpu.dimension_semantics<subcore_parallel>], iteration_bounds = array<i64: 2, 16>, scalar_prefetch = 0 : i64, scratch_operands = 0 : i64, tpu.core_type = #tpu.core_type<sc_vector_subcore>, window_params = [{transform_indices = #map}, {transform_indices = #map}, {transform_indices = #map}]} {
    %mul3A = arith.constant 1 : i32
    %mul3A_0 = arith.muli %arg1, %mul3A : i32
    %add3A = arith.constant 0 : i32
    %add3A_1 = arith.addi %add3A, %mul3A_0 : i32
    %mul3A_2 = arith.constant 16 : i32
    %mul3A_3 = arith.muli %arg0, %mul3A_2 : i32
    %add3A_4 = arith.addi %add3A_1, %mul3A_3 : i32
    %mul3A_5 = arith.constant 1 : i32
    %mul3A_6 = arith.muli %add3A_4, %mul3A_5 : i32
    "tpu.region"() ({
      %run_scoped3A = memref.alloca() : memref<2x1x256xi32, #tpu.memory_space<vmem>>
      %run_scoped3A_7 = tpu.sem_alloc : memref<2x!tpu.dma_semaphore, #tpu.memory_space<semaphore_mem>>
      %run_scoped3A_8 = memref.alloca() : memref<2x256x128xf32, #tpu.memory_space<vmem>>
      %run_scoped3A_9 = tpu.sem_alloc : memref<2x!tpu.dma_semaphore, #tpu.memory_space<semaphore_mem>>
      %add3A_10 = arith.constant 0 : i32
      %add3A_11 = arith.addi %add3A_10, %mul3A_6 : i32
      %select_n3A = arith.constant true
      %select_n3A_12 = arith.constant 0 : i32
      %select_n3A_13 = arith.constant -1 : i32
      %select_n3A_14 = arith.select %select_n3A, %select_n3A_13, %select_n3A_12 : i32
      %eq3A = arith.constant -1 : i32
      %eq3A_15 = arith.cmpi eq, %select_n3A_14, %eq3A : i32
      %select_n3A_16 = arith.constant 0 : i32
      %select_n3A_17 = arith.select %eq3A_15, %select_n3A_16, %select_n3A_14 : i32
      %add3A_18 = arith.constant 0 : i32
      %add3A_19 = arith.addi %add3A_18, %mul3A_6 : i32
      %select_n3A_20 = arith.constant true
      %select_n3A_21 = arith.constant 0 : i32
      %select_n3A_22 = arith.constant 1 : i32
      %select_n3A_23 = arith.select %select_n3A_20, %select_n3A_22, %select_n3A_21 : i32
      %eq3A_24 = arith.constant 1 : i32
      %eq3A_25 = arith.cmpi eq, %select_n3A_23, %eq3A_24 : i32
      %select_n3A_26 = arith.constant 0 : i32
      %select_n3A_27 = arith.select %eq3A_25, %select_n3A_26, %select_n3A_23 : i32
      %add3A_28 = arith.constant 0 : i32
      %add3A_29 = arith.addi %add3A_28, %mul3A_6 : i32
      %select_n3A_30 = arith.constant true
      %select_n3A_31 = arith.constant 0 : i32
      %select_n3A_32 = arith.constant 1 : i32
      %select_n3A_33 = arith.select %select_n3A_30, %select_n3A_32, %select_n3A_31 : i32
      %eq3A_34 = arith.constant 1 : i32
      %eq3A_35 = arith.cmpi eq, %select_n3A_33, %eq3A_34 : i32
      %select_n3A_36 = arith.constant 0 : i32
      %select_n3A_37 = arith.select %eq3A_35, %select_n3A_36, %select_n3A_33 : i32
      %add3A_38 = arith.constant 0 : i32
      %add3A_39 = arith.addi %add3A_38, %mul3A_6 : i32
      "tpu.trace_start"() <{level = 10 : i32, message = "ep_initialize_0"}> : () -> ()
      %rem3A = arith.constant 0 : i32
      %rem3A_40 = arith.constant 2 : i32
      %rem3A_41 = arith.remui %rem3A, %rem3A_40 : i32
      %mul3A_42 = arith.constant 256 : i32
      %mul3A_43 = arith.muli %mul3A_42, %add3A_11 : i32
      %dma_start3A = arith.constant 0 : i32
      %dma_start3A_44 = arith.constant 0 : i32
      %dma_start3A_45 = tpu.memref_slice %run_scoped3A[%rem3A_41, %dma_start3A, %dma_start3A_44] : memref<2x1x256xi32, #tpu.memory_space<vmem>> -> memref<1x1x256xi32, #tpu.memory_space<vmem>>
      %dma_start3A_46 = tpu.memref_squeeze %dma_start3A_45 : memref<1x1x256xi32, #tpu.memory_space<vmem>> -> memref<1x256xi32, #tpu.memory_space<vmem>>
      %dma_start3A_47 = arith.constant 0 : i32
      %dma_start3A_48 = tpu.memref_slice %arg3[%dma_start3A_47, %mul3A_43] : memref<1x8192xi32, #tpu.memory_space<hbm>> -> memref<1x256xi32, #tpu.memory_space<hbm>>
      %dma_start3A_49 = tpu.memref_slice %run_scoped3A_7[%rem3A_41] : memref<2x!tpu.dma_semaphore, #tpu.memory_space<semaphore_mem>> -> memref<1x!tpu.dma_semaphore, #tpu.memory_space<semaphore_mem>>
      %dma_start3A_50 = tpu.memref_squeeze %dma_start3A_49 : memref<1x!tpu.dma_semaphore, #tpu.memory_space<semaphore_mem>> -> memref<!tpu.dma_semaphore, #tpu.memory_space<semaphore_mem>>
      %dma_start3A_51 = arith.constant 0 : i32
      %dma_start3A_52 = arith.constant 0 : i32
      %dma_start3A_53 = tpu.memref_slice %run_scoped3A[%rem3A_41, %dma_start3A_51, %dma_start3A_52] : memref<2x1x256xi32, #tpu.memory_space<vmem>> -> memref<1x1x256xi32, #tpu.memory_space<vmem>>
      %dma_start3A_54 = tpu.memref_squeeze %dma_start3A_53 : memref<1x1x256xi32, #tpu.memory_space<vmem>> -> memref<1x256xi32, #tpu.memory_space<vmem>>
      %dma_start3A_55 = arith.constant 0 : i32
      %dma_start3A_56 = tpu.memref_slice %arg3[%dma_start3A_55, %mul3A_43] : memref<1x8192xi32, #tpu.memory_space<hbm>> -> memref<1x256xi32, #tpu.memory_space<hbm>>
      tpu.enqueue_dma source(%dma_start3A_56 : memref<1x256xi32, #tpu.memory_space<hbm>>) target(%dma_start3A_54 : memref<1x256xi32, #tpu.memory_space<vmem>>) target_semaphore(%dma_start3A_50 : memref<!tpu.dma_semaphore, #tpu.memory_space<semaphore_mem>>)
      %add3A_57 = arith.constant 0 : i32
      %add3A_58 = arith.constant 1 : i32
      %add3A_59 = arith.addi %add3A_57, %add3A_58 : i32
      %select_n3A_60 = arith.constant true
      %select_n3A_61 = arith.constant 0 : i32
      %select_n3A_62 = arith.select %select_n3A_60, %add3A_59, %select_n3A_61 : i32
      "tpu.trace_stop"() : () -> ()
      %scan3A = arith.constant 0 : i32
      %scan3A_63 = arith.constant 0 : i32
      %scan3A_64 = arith.constant 0 : i32
      %scan3A_65 = arith.constant 0 : i32
      %scan3A_66 = arith.constant 0 : i32
      %eq3A_67 = arith.constant 0 : i32
      %eq3A_68 = arith.cmpi eq, %scan3A_66, %eq3A_67 : i32
      %eq3A_69 = arith.constant 0 : i32
      %eq3A_70 = arith.cmpi eq, %scan3A_66, %eq3A_69 : i32
      %add3A_71 = arith.constant 0 : i32
      %add3A_72 = arith.addi %add3A_71, %mul3A_6 : i32
      %select_n3A_73 = arith.constant true
      %select_n3A_74 = arith.constant 0 : i32
      %select_n3A_75 = arith.constant -1 : i32
      %select_n3A_76 = arith.select %select_n3A_73, %select_n3A_75, %select_n3A_74 : i32
      %eq3A_77 = arith.constant -1 : i32
      %eq3A_78 = arith.cmpi eq, %select_n3A_76, %eq3A_77 : i32
      %select_n3A_79 = arith.constant 0 : i32
      %select_n3A_80 = arith.select %eq3A_78, %select_n3A_79, %select_n3A_76 : i32
      %add3A_81 = arith.constant 0 : i32
      %add3A_82 = arith.addi %add3A_81, %mul3A_6 : i32
      %select_n3A_83 = arith.constant true
      %select_n3A_84 = arith.constant 0 : i32
      %select_n3A_85 = arith.constant 1 : i32
      %select_n3A_86 = arith.select %select_n3A_83, %select_n3A_85, %select_n3A_84 : i32
      %eq3A_87 = arith.constant 1 : i32
      %eq3A_88 = arith.cmpi eq, %select_n3A_86, %eq3A_87 : i32
      %select_n3A_89 = arith.constant 0 : i32
      %select_n3A_90 = arith.select %eq3A_88, %select_n3A_89, %select_n3A_86 : i32
      %add3A_91 = arith.constant 0 : i32
      %add3A_92 = arith.addi %add3A_91, %mul3A_6 : i32
      %select_n3A_93 = arith.constant true
      %select_n3A_94 = arith.constant 0 : i32
      %select_n3A_95 = arith.constant 1 : i32
      %select_n3A_96 = arith.select %select_n3A_93, %select_n3A_95, %select_n3A_94 : i32
      %eq3A_97 = arith.constant 1 : i32
      %eq3A_98 = arith.cmpi eq, %select_n3A_96, %eq3A_97 : i32
      %select_n3A_99 = arith.constant 0 : i32
      %select_n3A_100 = arith.select %eq3A_98, %select_n3A_99, %select_n3A_96 : i32
      %add3A_101 = arith.constant 0 : i32
      %add3A_102 = arith.addi %add3A_101, %mul3A_6 : i32
      %ne3A = arith.cmpi ne, %add3A_72, %add3A_92 : i32
      %or3A = arith.constant false
      %or3A_103 = arith.ori %or3A, %ne3A : i1
      %ge3A = arith.constant 0 : i32
      %ge3A_104 = arith.cmpi sge, %scan3A_66, %ge3A : i32
      %not3A = arith.constant true
      %not3A_105 = arith.xori %ge3A_104, %not3A : i1
      %and3A = arith.andi %or3A_103, %not3A_105 : i1
      %convert_element_type3A = arith.extui %and3A : i1 to i32
      %cond3A = arith.constant 0 : i32
      %cond3A_106 = arith.cmpi ne, %convert_element_type3A, %cond3A : i32
      scf.if %cond3A_106 {
        "tpu.trace_start"() <{level = 10 : i32, message = "ep_copy_in"}> : () -> ()
        %rem3A_266 = arith.constant 2 : i32
        %rem3A_267 = arith.remui %select_n3A_62, %rem3A_266 : i32
        %mul3A_268 = arith.constant 256 : i32
        %mul3A_269 = arith.muli %mul3A_268, %add3A_92 : i32
        %dma_start3A_270 = arith.constant 0 : i32
        %dma_start3A_271 = arith.constant 0 : i32
        %dma_start3A_272 = tpu.memref_slice %run_scoped3A[%rem3A_267, %dma_start3A_270, %dma_start3A_271] : memref<2x1x256xi32, #tpu.memory_space<vmem>> -> memref<1x1x256xi32, #tpu.memory_space<vmem>>
        %dma_start3A_273 = tpu.memref_squeeze %dma_start3A_272 : memref<1x1x256xi32, #tpu.memory_space<vmem>> -> memref<1x256xi32, #tpu.memory_space<vmem>>
        %dma_start3A_274 = arith.constant 0 : i32
        %dma_start3A_275 = tpu.memref_slice %arg3[%dma_start3A_274, %mul3A_269] : memref<1x8192xi32, #tpu.memory_space<hbm>> -> memref<1x256xi32, #tpu.memory_space<hbm>>
        %dma_start3A_276 = tpu.memref_slice %run_scoped3A_7[%rem3A_267] : memref<2x!tpu.dma_semaphore, #tpu.memory_space<semaphore_mem>> -> memref<1x!tpu.dma_semaphore, #tpu.memory_space<semaphore_mem>>
        %dma_start3A_277 = tpu.memref_squeeze %dma_start3A_276 : memref<1x!tpu.dma_semaphore, #tpu.memory_space<semaphore_mem>> -> memref<!tpu.dma_semaphore, #tpu.memory_space<semaphore_mem>>
        %dma_start3A_278 = arith.constant 0 : i32
        %dma_start3A_279 = arith.constant 0 : i32
        %dma_start3A_280 = tpu.memref_slice %run_scoped3A[%rem3A_267, %dma_start3A_278, %dma_start3A_279] : memref<2x1x256xi32, #tpu.memory_space<vmem>> -> memref<1x1x256xi32, #tpu.memory_space<vmem>>
        %dma_start3A_281 = tpu.memref_squeeze %dma_start3A_280 : memref<1x1x256xi32, #tpu.memory_space<vmem>> -> memref<1x256xi32, #tpu.memory_space<vmem>>
        %dma_start3A_282 = arith.constant 0 : i32
        %dma_start3A_283 = tpu.memref_slice %arg3[%dma_start3A_282, %mul3A_269] : memref<1x8192xi32, #tpu.memory_space<hbm>> -> memref<1x256xi32, #tpu.memory_space<hbm>>
        tpu.enqueue_dma source(%dma_start3A_283 : memref<1x256xi32, #tpu.memory_space<hbm>>) target(%dma_start3A_281 : memref<1x256xi32, #tpu.memory_space<vmem>>) target_semaphore(%dma_start3A_277 : memref<!tpu.dma_semaphore, #tpu.memory_space<semaphore_mem>>)
        "tpu.trace_stop"() : () -> ()
      } else {
      }
      %and3A_107 = arith.constant true
      %and3A_108 = arith.andi %and3A, %and3A_107 : i1
      %add3A_109 = arith.constant 1 : i32
      %add3A_110 = arith.addi %select_n3A_62, %add3A_109 : i32
      %select_n3A_111 = arith.select %and3A_108, %add3A_110, %select_n3A_62 : i32
      %ne3A_112 = arith.cmpi ne, %add3A_72, %add3A_92 : i32
      %or3A_113 = arith.constant false
      %or3A_114 = arith.ori %or3A_113, %ne3A_112 : i1
      %or3A_115 = arith.constant false
      %or3A_116 = arith.ori %or3A_114, %or3A_115 : i1
      %ge3A_117 = arith.constant 0 : i32
      %ge3A_118 = arith.cmpi sge, %scan3A_66, %ge3A_117 : i32
      %not3A_119 = arith.constant true
      %not3A_120 = arith.xori %ge3A_118, %not3A_119 : i1
      %and3A_121 = arith.andi %or3A_116, %not3A_120 : i1
      %ne3A_122 = arith.cmpi ne, %add3A_72, %add3A_82 : i32
      %or3A_123 = arith.constant false
      %or3A_124 = arith.ori %or3A_123, %ne3A_122 : i1
      %or3A_125 = arith.ori %or3A_124, %eq3A_68 : i1
      %convert_element_type3A_126 = arith.extui %or3A_125 : i1 to i32
      %cond3A_127 = arith.constant 0 : i32
      %cond3A_128 = arith.cmpi ne, %convert_element_type3A_126, %cond3A_127 : i32
      scf.if %cond3A_128 {
        "tpu.trace_start"() <{level = 10 : i32, message = "ep_wait_in"}> : () -> ()
        %mul3A_266 = arith.constant 256 : i32
        %mul3A_267 = arith.muli %mul3A_266, %add3A_72 : i32
        %rem3A_268 = arith.constant 2 : i32
        %rem3A_269 = arith.remui %scan3A, %rem3A_268 : i32
        %dma_wait3A_270 = arith.constant 0 : i32
        %dma_wait3A_271 = arith.constant 0 : i32
        %dma_wait3A_272 = tpu.memref_slice %run_scoped3A[%rem3A_269, %dma_wait3A_270, %dma_wait3A_271] : memref<2x1x256xi32, #tpu.memory_space<vmem>> -> memref<1x1x256xi32, #tpu.memory_space<vmem>>
        %dma_wait3A_273 = tpu.memref_squeeze %dma_wait3A_272 : memref<1x1x256xi32, #tpu.memory_space<vmem>> -> memref<1x256xi32, #tpu.memory_space<vmem>>
        %dma_wait3A_274 = arith.constant 0 : i32
        %dma_wait3A_275 = tpu.memref_slice %arg3[%dma_wait3A_274, %mul3A_267] : memref<1x8192xi32, #tpu.memory_space<hbm>> -> memref<1x256xi32, #tpu.memory_space<hbm>>
        %dma_wait3A_276 = tpu.memref_slice %run_scoped3A_7[%rem3A_269] : memref<2x!tpu.dma_semaphore, #tpu.memory_space<semaphore_mem>> -> memref<1x!tpu.dma_semaphore, #tpu.memory_space<semaphore_mem>>
        %dma_wait3A_277 = tpu.memref_squeeze %dma_wait3A_276 : memref<1x!tpu.dma_semaphore, #tpu.memory_space<semaphore_mem>> -> memref<!tpu.dma_semaphore, #tpu.memory_space<semaphore_mem>>
        %dma_wait3A_278 = arith.constant 0 : i32
        %dma_wait3A_279 = arith.constant 0 : i32
        %dma_wait3A_280 = tpu.memref_slice %run_scoped3A[%rem3A_269, %dma_wait3A_278, %dma_wait3A_279] : memref<2x1x256xi32, #tpu.memory_space<vmem>> -> memref<1x1x256xi32, #tpu.memory_space<vmem>>
        %dma_wait3A_281 = tpu.memref_squeeze %dma_wait3A_280 : memref<1x1x256xi32, #tpu.memory_space<vmem>> -> memref<1x256xi32, #tpu.memory_space<vmem>>
        %dma_wait3A_282 = arith.constant 0 : i32
        %dma_wait3A_283 = tpu.memref_slice %arg3[%dma_wait3A_282, %mul3A_267] : memref<1x8192xi32, #tpu.memory_space<hbm>> -> memref<1x256xi32, #tpu.memory_space<hbm>>
        tpu.wait_dma2 semaphore(%dma_wait3A_277 : memref<!tpu.dma_semaphore, #tpu.memory_space<semaphore_mem>>) src(%dma_wait3A_283 : memref<1x256xi32, #tpu.memory_space<hbm>>) dst(%dma_wait3A_281 : memref<1x256xi32, #tpu.memory_space<vmem>>)
        "tpu.trace_stop"() : () -> ()
      } else {
      }
      %ne3A_129 = arith.cmpi ne, %add3A_72, %add3A_82 : i32
      %or3A_130 = arith.constant false
      %or3A_131 = arith.ori %or3A_130, %ne3A_129 : i1
      %or3A_132 = arith.constant false
      %or3A_133 = arith.ori %or3A_131, %or3A_132 : i1
      %or3A_134 = arith.ori %or3A_133, %eq3A_68 : i1
      %convert_element_type3A_135 = arith.extui %or3A_134 : i1 to i32
      %cond3A_136 = arith.constant 0 : i32
      %cond3A_137 = arith.cmpi ne, %convert_element_type3A_135, %cond3A_136 : i32
      scf.if %cond3A_137 {
      } else {
      }
      %rem3A_138 = arith.constant 2 : i32
      %rem3A_139 = arith.remui %scan3A, %rem3A_138 : i32
      %rem3A_140 = arith.constant 2 : i32
      %rem3A_141 = arith.remui %scan3A_63, %rem3A_140 : i32
      %run_scoped3A_142 = arith.constant 0 : i32
      "tpu.trace_start"() <{level = 10 : i32, message = "ep_run_kernel"}> : () -> ()
      "tpu.region"() ({
        %run_scoped3A_266 = tpu.sem_alloc : memref<!tpu.dma_semaphore, #tpu.memory_space<semaphore_mem>>
        %dma_start3A_267 = arith.constant 0 : i32
        %dma_start3A_268 = arith.constant 0 : i32
        %dma_start3A_269 = tpu.memref_slice %run_scoped3A_8[%rem3A_141, %dma_start3A_267, %dma_start3A_268] : memref<2x256x128xf32, #tpu.memory_space<vmem>> -> memref<1x256x128xf32, #tpu.memory_space<vmem>>
        %dma_start3A_270 = tpu.memref_squeeze %dma_start3A_269 : memref<1x256x128xf32, #tpu.memory_space<vmem>> -> memref<256x128xf32, #tpu.memory_space<vmem>>
        %dma_start3A_271 = arith.constant 0 : i32
        %dma_start3A_272 = arith.constant 0 : i32
        %dma_start3A_273 = tpu.memref_slice %run_scoped3A[%rem3A_139, %dma_start3A_271, %dma_start3A_272] : memref<2x1x256xi32, #tpu.memory_space<vmem>> -> memref<1x1x256xi32, #tpu.memory_space<vmem>>
        %dma_start3A_274 = tpu.memref_squeeze %dma_start3A_273 : memref<1x1x256xi32, #tpu.memory_space<vmem>> -> memref<1x256xi32, #tpu.memory_space<vmem>>
        %dma_start3A_275 = arith.constant 0 : i32
        %dma_start3A_276 = tpu.memref_slice %dma_start3A_274[%run_scoped3A_142, %dma_start3A_275] : memref<1x256xi32, #tpu.memory_space<vmem>> -> memref<1x256xi32, #tpu.memory_space<vmem>>
        %dma_start3A_277 = tpu.memref_squeeze %dma_start3A_276 : memref<1x256xi32, #tpu.memory_space<vmem>> -> memref<256xi32, #tpu.memory_space<vmem>>
        %dma_start3A_278 = arith.constant 0 : i32
        %dma_start3A_279 = arith.constant 0 : i32
        %dma_start3A_280 = tpu.memref_slice %arg2[%dma_start3A_278, %dma_start3A_279] : memref<8192x128xf32, #tpu.memory_space<hbm>> -> memref<8192x128xf32, #tpu.memory_space<hbm>>
        tpu.enqueue_indirect_dma source(%dma_start3A_280 : memref<8192x128xf32, #tpu.memory_space<hbm>>) target(%dma_start3A_270 : memref<256x128xf32, #tpu.memory_space<vmem>>) offsets(%dma_start3A_277 : memref<256xi32, #tpu.memory_space<vmem>>) semaphore(%run_scoped3A_266 : memref<!tpu.dma_semaphore, #tpu.memory_space<semaphore_mem>>)
        %dma_wait3A_281 = arith.constant 0 : i32
        %dma_wait3A_282 = arith.constant 0 : i32
        %dma_wait3A_283 = tpu.memref_slice %run_scoped3A_8[%rem3A_141, %dma_wait3A_281, %dma_wait3A_282] : memref<2x256x128xf32, #tpu.memory_space<vmem>> -> memref<1x256x128xf32, #tpu.memory_space<vmem>>
        %dma_wait3A_284 = tpu.memref_squeeze %dma_wait3A_283 : memref<1x256x128xf32, #tpu.memory_space<vmem>> -> memref<256x128xf32, #tpu.memory_space<vmem>>
        %dma_wait3A_285 = arith.constant 0 : i32
        %dma_wait3A_286 = arith.constant 0 : i32
        %dma_wait3A_287 = tpu.memref_slice %run_scoped3A[%rem3A_139, %dma_wait3A_285, %dma_wait3A_286] : memref<2x1x256xi32, #tpu.memory_space<vmem>> -> memref<1x1x256xi32, #tpu.memory_space<vmem>>
        %dma_wait3A_288 = tpu.memref_squeeze %dma_wait3A_287 : memref<1x1x256xi32, #tpu.memory_space<vmem>> -> memref<1x256xi32, #tpu.memory_space<vmem>>
        %dma_wait3A_289 = arith.constant 0 : i32
        %dma_wait3A_290 = tpu.memref_slice %dma_wait3A_288[%run_scoped3A_142, %dma_wait3A_289] : memref<1x256xi32, #tpu.memory_space<vmem>> -> memref<1x256xi32, #tpu.memory_space<vmem>>
        %dma_wait3A_291 = tpu.memref_squeeze %dma_wait3A_290 : memref<1x256xi32, #tpu.memory_space<vmem>> -> memref<256xi32, #tpu.memory_space<vmem>>
        %dma_wait3A_292 = arith.constant 0 : i32
        %dma_wait3A_293 = arith.constant 0 : i32
        %dma_wait3A_294 = tpu.memref_slice %arg2[%dma_wait3A_292, %dma_wait3A_293] : memref<8192x128xf32, #tpu.memory_space<hbm>> -> memref<8192x128xf32, #tpu.memory_space<hbm>>
        tpu.wait_indirect_dma semaphore(%run_scoped3A_266 : memref<!tpu.dma_semaphore, #tpu.memory_space<semaphore_mem>>) src(%dma_wait3A_294 : memref<8192x128xf32, #tpu.memory_space<hbm>>) dst(%dma_wait3A_284 : memref<256x128xf32, #tpu.memory_space<vmem>>)
        tpu.yield
      }) : () -> ()
      "tpu.trace_stop"() : () -> ()
      %ne3A_143 = arith.cmpi ne, %add3A_72, %add3A_92 : i32
      %or3A_144 = arith.constant false
      %or3A_145 = arith.ori %or3A_144, %ne3A_143 : i1
      %or3A_146 = arith.ori %or3A_145, %eq3A_70 : i1
      %convert_element_type3A_147 = arith.extui %or3A_146 : i1 to i32
      %cond3A_148 = arith.constant 0 : i32
      %cond3A_149 = arith.cmpi ne, %convert_element_type3A_147, %cond3A_148 : i32
      scf.if %cond3A_149 {
      } else {
      }
      %and3A_150 = arith.constant false
      %and3A_151 = arith.andi %or3A_146, %and3A_150 : i1
      %ne3A_152 = arith.cmpi ne, %add3A_72, %add3A_92 : i32
      %or3A_153 = arith.constant false
      %or3A_154 = arith.ori %or3A_153, %ne3A_152 : i1
      %or3A_155 = arith.constant false
      %or3A_156 = arith.ori %or3A_154, %or3A_155 : i1
      %or3A_157 = arith.ori %or3A_156, %eq3A_70 : i1
      %convert_element_type3A_158 = arith.extui %or3A_157 : i1 to i32
      %cond3A_159 = arith.constant 0 : i32
      %cond3A_160 = arith.cmpi ne, %convert_element_type3A_158, %cond3A_159 : i32
      scf.if %cond3A_160 {
        "tpu.trace_start"() <{level = 10 : i32, message = "ep_copy_out"}> : () -> ()
        %rem3A_266 = arith.constant 2 : i32
        %rem3A_267 = arith.remui %scan3A_63, %rem3A_266 : i32
        %mul3A_268 = arith.constant 256 : i32
        %mul3A_269 = arith.muli %mul3A_268, %add3A_72 : i32
        %dma_start3A_270 = arith.constant 0 : i32
        %dma_start3A_271 = arith.constant 0 : i32
        %dma_start3A_272 = tpu.memref_slice %run_scoped3A_8[%rem3A_267, %dma_start3A_270, %dma_start3A_271] : memref<2x256x128xf32, #tpu.memory_space<vmem>> -> memref<1x256x128xf32, #tpu.memory_space<vmem>>
        %dma_start3A_273 = tpu.memref_squeeze %dma_start3A_272 : memref<1x256x128xf32, #tpu.memory_space<vmem>> -> memref<256x128xf32, #tpu.memory_space<vmem>>
        %dma_start3A_274 = arith.constant 0 : i32
        %dma_start3A_275 = tpu.memref_slice %arg4[%mul3A_269, %dma_start3A_274] : memref<8192x128xf32, #tpu.memory_space<hbm>> -> memref<256x128xf32, #tpu.memory_space<hbm>>
        %dma_start3A_276 = tpu.memref_slice %run_scoped3A_9[%rem3A_267] : memref<2x!tpu.dma_semaphore, #tpu.memory_space<semaphore_mem>> -> memref<1x!tpu.dma_semaphore, #tpu.memory_space<semaphore_mem>>
        %dma_start3A_277 = tpu.memref_squeeze %dma_start3A_276 : memref<1x!tpu.dma_semaphore, #tpu.memory_space<semaphore_mem>> -> memref<!tpu.dma_semaphore, #tpu.memory_space<semaphore_mem>>
        %dma_start3A_278 = arith.constant 0 : i32
        %dma_start3A_279 = tpu.memref_slice %arg4[%mul3A_269, %dma_start3A_278] : memref<8192x128xf32, #tpu.memory_space<hbm>> -> memref<256x128xf32, #tpu.memory_space<hbm>>
        %dma_start3A_280 = arith.constant 0 : i32
        %dma_start3A_281 = arith.constant 0 : i32
        %dma_start3A_282 = tpu.memref_slice %run_scoped3A_8[%rem3A_267, %dma_start3A_280, %dma_start3A_281] : memref<2x256x128xf32, #tpu.memory_space<vmem>> -> memref<1x256x128xf32, #tpu.memory_space<vmem>>
        %dma_start3A_283 = tpu.memref_squeeze %dma_start3A_282 : memref<1x256x128xf32, #tpu.memory_space<vmem>> -> memref<256x128xf32, #tpu.memory_space<vmem>>
        tpu.enqueue_dma source(%dma_start3A_283 : memref<256x128xf32, #tpu.memory_space<vmem>>) target(%dma_start3A_279 : memref<256x128xf32, #tpu.memory_space<hbm>>) target_semaphore(%dma_start3A_277 : memref<!tpu.dma_semaphore, #tpu.memory_space<semaphore_mem>>)
        "tpu.trace_stop"() : () -> ()
      } else {
      }
      %and3A_161 = arith.constant true
      %and3A_162 = arith.andi %or3A_157, %and3A_161 : i1
      %add3A_163 = arith.constant 1 : i32
      %add3A_164 = arith.addi %scan3A_63, %add3A_163 : i32
      %select_n3A_165 = arith.select %and3A_162, %add3A_164, %scan3A_63 : i32
      %ne3A_166 = arith.cmpi ne, %add3A_72, %add3A_82 : i32
      %or3A_167 = arith.constant false
      %or3A_168 = arith.ori %or3A_167, %ne3A_166 : i1
      %not3A_169 = arith.constant true
      %not3A_170 = arith.xori %eq3A_68, %not3A_169 : i1
      %and3A_171 = arith.andi %or3A_168, %not3A_170 : i1
      %convert_element_type3A_172 = arith.extui %and3A_171 : i1 to i32
      %cond3A_173 = arith.constant 0 : i32
      %cond3A_174 = arith.cmpi ne, %convert_element_type3A_172, %cond3A_173 : i32
      scf.if %cond3A_174 {
      } else {
      }
      %and3A_175 = arith.constant false
      %and3A_176 = arith.andi %and3A_171, %and3A_175 : i1
      %ne3A_177 = arith.cmpi ne, %add3A_72, %add3A_82 : i32
      %or3A_178 = arith.constant false
      %or3A_179 = arith.ori %or3A_178, %ne3A_177 : i1
      %or3A_180 = arith.constant false
      %or3A_181 = arith.ori %or3A_179, %or3A_180 : i1
      %not3A_182 = arith.constant true
      %not3A_183 = arith.xori %eq3A_68, %not3A_182 : i1
      %and3A_184 = arith.andi %or3A_181, %not3A_183 : i1
      %convert_element_type3A_185 = arith.extui %and3A_184 : i1 to i32
      %cond3A_186 = arith.constant 0 : i32
      %cond3A_187 = arith.cmpi ne, %convert_element_type3A_185, %cond3A_186 : i32
      scf.if %cond3A_187 {
        "tpu.trace_start"() <{level = 10 : i32, message = "ep_wait_out"}> : () -> ()
        %rem3A_266 = arith.constant 2 : i32
        %rem3A_267 = arith.remui %scan3A_64, %rem3A_266 : i32
        %mul3A_268 = arith.constant 256 : i32
        %mul3A_269 = arith.muli %mul3A_268, %add3A_82 : i32
        %dma_wait3A_270 = arith.constant 0 : i32
        %dma_wait3A_271 = arith.constant 0 : i32
        %dma_wait3A_272 = tpu.memref_slice %run_scoped3A_8[%rem3A_267, %dma_wait3A_270, %dma_wait3A_271] : memref<2x256x128xf32, #tpu.memory_space<vmem>> -> memref<1x256x128xf32, #tpu.memory_space<vmem>>
        %dma_wait3A_273 = tpu.memref_squeeze %dma_wait3A_272 : memref<1x256x128xf32, #tpu.memory_space<vmem>> -> memref<256x128xf32, #tpu.memory_space<vmem>>
        %dma_wait3A_274 = arith.constant 0 : i32
        %dma_wait3A_275 = tpu.memref_slice %arg4[%mul3A_269, %dma_wait3A_274] : memref<8192x128xf32, #tpu.memory_space<hbm>> -> memref<256x128xf32, #tpu.memory_space<hbm>>
        %dma_wait3A_276 = tpu.memref_slice %run_scoped3A_9[%rem3A_267] : memref<2x!tpu.dma_semaphore, #tpu.memory_space<semaphore_mem>> -> memref<1x!tpu.dma_semaphore, #tpu.memory_space<semaphore_mem>>
        %dma_wait3A_277 = tpu.memref_squeeze %dma_wait3A_276 : memref<1x!tpu.dma_semaphore, #tpu.memory_space<semaphore_mem>> -> memref<!tpu.dma_semaphore, #tpu.memory_space<semaphore_mem>>
        %dma_wait3A_278 = arith.constant 0 : i32
        %dma_wait3A_279 = tpu.memref_slice %arg4[%mul3A_269, %dma_wait3A_278] : memref<8192x128xf32, #tpu.memory_space<hbm>> -> memref<256x128xf32, #tpu.memory_space<hbm>>
        %dma_wait3A_280 = arith.constant 0 : i32
        %dma_wait3A_281 = arith.constant 0 : i32
        %dma_wait3A_282 = tpu.memref_slice %run_scoped3A_8[%rem3A_267, %dma_wait3A_280, %dma_wait3A_281] : memref<2x256x128xf32, #tpu.memory_space<vmem>> -> memref<1x256x128xf32, #tpu.memory_space<vmem>>
        %dma_wait3A_283 = tpu.memref_squeeze %dma_wait3A_282 : memref<1x256x128xf32, #tpu.memory_space<vmem>> -> memref<256x128xf32, #tpu.memory_space<vmem>>
        tpu.wait_dma2 semaphore(%dma_wait3A_277 : memref<!tpu.dma_semaphore, #tpu.memory_space<semaphore_mem>>) src(%dma_wait3A_283 : memref<256x128xf32, #tpu.memory_space<vmem>>) dst(%dma_wait3A_279 : memref<256x128xf32, #tpu.memory_space<hbm>>)
        "tpu.trace_stop"() : () -> ()
      } else {
      }
      %and3A_188 = arith.constant true
      %and3A_189 = arith.andi %and3A_184, %and3A_188 : i1
      %add3A_190 = arith.constant 1 : i32
      %add3A_191 = arith.addi %scan3A_64, %add3A_190 : i32
      %select_n3A_192 = arith.select %and3A_189, %add3A_191, %scan3A_64 : i32
      %ne3A_193 = arith.cmpi ne, %add3A_72, %add3A_92 : i32
      %or3A_194 = arith.constant false
      %or3A_195 = arith.ori %or3A_194, %ne3A_193 : i1
      %or3A_196 = arith.ori %or3A_195, %eq3A_70 : i1
      %add3A_197 = arith.constant 1 : i32
      %add3A_198 = arith.addi %scan3A, %add3A_197 : i32
      %select_n3A_199 = arith.select %or3A_196, %add3A_198, %scan3A : i32
      %select_n3A_200 = arith.constant true
      %select_n3A_201 = arith.constant 0 : i32
      %select_n3A_202 = arith.constant 1 : i32
      %select_n3A_203 = arith.select %select_n3A_200, %select_n3A_202, %select_n3A_201 : i32
      %eq3A_204 = arith.constant 1 : i32
      %eq3A_205 = arith.cmpi eq, %select_n3A_203, %eq3A_204 : i32
      %select_n3A_206 = arith.constant 0 : i32
      %select_n3A_207 = arith.select %eq3A_205, %select_n3A_206, %select_n3A_203 : i32
      %scan3A_208 = arith.constant 0 : i32
      %scan3A_209 = arith.constant 1 : i32
      %sub3A = arith.constant 1 : i32
      %sub3A_210 = arith.subi %scan3A_208, %sub3A : i32
      %select_n3A_211 = arith.constant true
      %select_n3A_212 = arith.select %select_n3A_211, %sub3A_210, %scan3A_208 : i32
      %eq3A_213 = arith.constant -1 : i32
      %eq3A_214 = arith.cmpi eq, %select_n3A_212, %eq3A_213 : i32
      %select_n3A_215 = arith.constant 0 : i32
      %select_n3A_216 = arith.select %eq3A_214, %select_n3A_215, %select_n3A_212 : i32
      %add3A_217 = arith.constant 0 : i32
      %add3A_218 = arith.addi %add3A_217, %mul3A_6 : i32
      %select_n3A_219 = arith.constant true
      %select_n3A_220 = arith.constant 0 : i32
      %select_n3A_221 = arith.constant -1 : i32
      %select_n3A_222 = arith.select %select_n3A_219, %select_n3A_221, %select_n3A_220 : i32
      %eq3A_223 = arith.constant -1 : i32
      %eq3A_224 = arith.cmpi eq, %select_n3A_222, %eq3A_223 : i32
      %select_n3A_225 = arith.constant 0 : i32
      %select_n3A_226 = arith.select %eq3A_224, %select_n3A_225, %select_n3A_222 : i32
      %add3A_227 = arith.constant 0 : i32
      %add3A_228 = arith.addi %add3A_227, %mul3A_6 : i32
      %select_n3A_229 = arith.constant true
      %select_n3A_230 = arith.constant 0 : i32
      %select_n3A_231 = arith.constant 1 : i32
      %select_n3A_232 = arith.select %select_n3A_229, %select_n3A_231, %select_n3A_230 : i32
      %eq3A_233 = arith.constant 1 : i32
      %eq3A_234 = arith.cmpi eq, %select_n3A_232, %eq3A_233 : i32
      %select_n3A_235 = arith.constant 0 : i32
      %select_n3A_236 = arith.select %eq3A_234, %select_n3A_235, %select_n3A_232 : i32
      %add3A_237 = arith.constant 0 : i32
      %add3A_238 = arith.addi %add3A_237, %mul3A_6 : i32
      %select_n3A_239 = arith.constant true
      %select_n3A_240 = arith.constant 0 : i32
      %select_n3A_241 = arith.constant 1 : i32
      %select_n3A_242 = arith.select %select_n3A_239, %select_n3A_241, %select_n3A_240 : i32
      %eq3A_243 = arith.constant 1 : i32
      %eq3A_244 = arith.cmpi eq, %select_n3A_242, %eq3A_243 : i32
      %select_n3A_245 = arith.constant 0 : i32
      %select_n3A_246 = arith.select %eq3A_244, %select_n3A_245, %select_n3A_242 : i32
      %add3A_247 = arith.constant 0 : i32
      %add3A_248 = arith.addi %add3A_247, %mul3A_6 : i32
      "tpu.trace_start"() <{level = 10 : i32, message = "ep_finalize"}> : () -> ()
      %rem3A_249 = arith.constant 2 : i32
      %rem3A_250 = arith.remui %select_n3A_192, %rem3A_249 : i32
      %mul3A_251 = arith.constant 256 : i32
      %mul3A_252 = arith.muli %mul3A_251, %add3A_218 : i32
      %dma_wait3A = arith.constant 0 : i32
      %dma_wait3A_253 = arith.constant 0 : i32
      %dma_wait3A_254 = tpu.memref_slice %run_scoped3A_8[%rem3A_250, %dma_wait3A, %dma_wait3A_253] : memref<2x256x128xf32, #tpu.memory_space<vmem>> -> memref<1x256x128xf32, #tpu.memory_space<vmem>>
      %dma_wait3A_255 = tpu.memref_squeeze %dma_wait3A_254 : memref<1x256x128xf32, #tpu.memory_space<vmem>> -> memref<256x128xf32, #tpu.memory_space<vmem>>
      %dma_wait3A_256 = arith.constant 0 : i32
      %dma_wait3A_257 = tpu.memref_slice %arg4[%mul3A_252, %dma_wait3A_256] : memref<8192x128xf32, #tpu.memory_space<hbm>> -> memref<256x128xf32, #tpu.memory_space<hbm>>
      %dma_wait3A_258 = tpu.memref_slice %run_scoped3A_9[%rem3A_250] : memref<2x!tpu.dma_semaphore, #tpu.memory_space<semaphore_mem>> -> memref<1x!tpu.dma_semaphore, #tpu.memory_space<semaphore_mem>>
      %dma_wait3A_259 = tpu.memref_squeeze %dma_wait3A_258 : memref<1x!tpu.dma_semaphore, #tpu.memory_space<semaphore_mem>> -> memref<!tpu.dma_semaphore, #tpu.memory_space<semaphore_mem>>
      %dma_wait3A_260 = arith.constant 0 : i32
      %dma_wait3A_261 = tpu.memref_slice %arg4[%mul3A_252, %dma_wait3A_260] : memref<8192x128xf32, #tpu.memory_space<hbm>> -> memref<256x128xf32, #tpu.memory_space<hbm>>
      %dma_wait3A_262 = arith.constant 0 : i32
      %dma_wait3A_263 = arith.constant 0 : i32
      %dma_wait3A_264 = tpu.memref_slice %run_scoped3A_8[%rem3A_250, %dma_wait3A_262, %dma_wait3A_263] : memref<2x256x128xf32, #tpu.memory_space<vmem>> -> memref<1x256x128xf32, #tpu.memory_space<vmem>>
      %dma_wait3A_265 = tpu.memref_squeeze %dma_wait3A_264 : memref<1x256x128xf32, #tpu.memory_space<vmem>> -> memref<256x128xf32, #tpu.memory_space<vmem>>
      tpu.wait_dma2 semaphore(%dma_wait3A_259 : memref<!tpu.dma_semaphore, #tpu.memory_space<semaphore_mem>>) src(%dma_wait3A_265 : memref<256x128xf32, #tpu.memory_space<vmem>>) dst(%dma_wait3A_261 : memref<256x128xf32, #tpu.memory_space<hbm>>)
      "tpu.trace_stop"() : () -> ()
      tpu.yield
    }) : () -> ()
    return
  }
}

module attributes {stable_mosaic.version = 14 : i64} {
  func.func @_dist_kernel(%arg0: i32, %arg1: memref<1x1024x64xf32, #tpu.memory_space<vmem>>, %arg2: memref<16384x32xf32, #tpu.memory_space<vmem>>, %arg3: memref<1x2x1024xi32, #tpu.memory_space<vmem>>, %arg4: memref<8192x128xf32, #tpu.memory_space<vmem>>, %arg5: memref<16384x32xf32, #tpu.memory_space<vmem>>, %arg6: memref<2048x1024xf32, #tpu.memory_space<vmem>>, %arg7: memref<2048x1024xf32, #tpu.memory_space<vmem>>) attributes {dimension_semantics = [#tpu.dimension_semantics<arbitrary>], iteration_bounds = array<i64: 4>, scalar_prefetch = 0 : i64, scratch_operands = 3 : i64, tpu.core_type = #tpu.core_type<tc>, window_params = [{transform_indices = @transform_0, window_bounds = array<i64: 1, 1024, 64>}, {pipeline_mode = #tpu.pipeline_mode<synchronous>, transform_indices = @transform_1, window_bounds = array<i64: 16384, 32>}, {transform_indices = @transform_2, window_bounds = array<i64: 1, 2, 1024>}, {pipeline_mode = #tpu.pipeline_mode<synchronous>, transform_indices = @transform_3, window_bounds = array<i64: 8192, 128>}]} {
    %eq3A = arith.constant 0 : i32
    %eq3A_0 = arith.cmpi eq, %arg0, %eq3A : i32
    %convert_element_type3A = arith.extui %eq3A_0 : i1 to i32
    %cond3A = arith.constant 0 : i32
    %cond3A_1 = arith.cmpi ne, %convert_element_type3A, %cond3A : i32
    scf.if %cond3A_1 {
      %get3A_266 = arith.constant 0 : index
      %get3A_267 = arith.constant 0 : index
      %get3A_268 = vector.load %arg2[%get3A_266, %get3A_267] : memref<16384x32xf32, #tpu.memory_space<vmem>>, vector<16384x32xf32>
      %mul3A_269 = arith.mulf %get3A_268, %get3A_268 : vector<16384x32xf32>
      %reduce_sum3A_270 = arith.constant dense<0.000000e+00> : vector<16384xf32>
      %reduce_sum3A_271 = vector.multi_reduction <add>, %mul3A_269, %reduce_sum3A_270 [1] : vector<16384x32xf32> to vector<16384xf32>
      %broadcast_in_dim3A_272 = vector.shape_cast %reduce_sum3A_271 : vector<16384xf32> to vector<16384x1xf32>
      %sqrt3A_273 = math.sqrt %broadcast_in_dim3A_272 : vector<16384x1xf32>
      %max3A_274 = arith.constant 9.99999996E-13 : f32
      %max3A_275 = vector.broadcast %max3A_274 : f32 to vector<16384x1xf32>
      %max3A_276 = arith.maximumf %sqrt3A_273, %max3A_275 : vector<16384x1xf32>
      %div3A_277 = vector.broadcast %max3A_276 : vector<16384x1xf32> to vector<16384x32xf32>
      %div3A_278 = arith.divf %get3A_268, %div3A_277 : vector<16384x32xf32>
      %swap3A_279 = arith.constant 0 : index
      %swap3A_280 = arith.constant 0 : index
      %swap3A_281 = vector.load %arg5[%swap3A_279, %swap3A_280] : memref<16384x32xf32, #tpu.memory_space<vmem>>, vector<16384x32xf32>
      tpu.vector_store %arg5[%swap3A_279, %swap3A_280], %div3A_278 {strides = array<i32>} : memref<16384x32xf32, #tpu.memory_space<vmem>>, vector<16384x32xf32>,
      %broadcast_in_dim3A_282 = arith.constant 0.000000e+00 : f32
      %broadcast_in_dim3A_283 = vector.broadcast %broadcast_in_dim3A_282 : f32 to vector<8192x128xf32>
      %swap3A_284 = arith.constant 0 : index
      %swap3A_285 = arith.constant 0 : index
      %swap3A_286 = vector.load %arg4[%swap3A_284, %swap3A_285] : memref<8192x128xf32, #tpu.memory_space<vmem>>, vector<8192x128xf32>
      tpu.vector_store %arg4[%swap3A_284, %swap3A_285], %broadcast_in_dim3A_283 {strides = array<i32>} : memref<8192x128xf32, #tpu.memory_space<vmem>>, vector<8192x128xf32>,
      %get3A_287 = arith.constant 0 : index
      %get3A_288 = arith.constant 0 : index
      %get3A_289 = vector.load %arg5[%get3A_287, %get3A_288] : memref<16384x32xf32, #tpu.memory_space<vmem>>, vector<8192x32xf32>
      %swap3A_290 = arith.constant 0 : index
      %swap3A_291 = arith.constant 0 : index
      %swap3A_292 = vector.load %arg4[%swap3A_290, %swap3A_291] : memref<8192x128xf32, #tpu.memory_space<vmem>>, vector<8192x32xf32>
      tpu.vector_store %arg4[%swap3A_290, %swap3A_291], %get3A_289 {strides = array<i32>} : memref<8192x128xf32, #tpu.memory_space<vmem>>, vector<8192x32xf32>,
    } else {
    }
    %get3A = arith.constant 0 : index
    %get3A_2 = arith.constant 0 : index
    %get3A_3 = arith.constant 0 : index
    %get3A_4 = vector.load %arg1[%get3A, %get3A_2, %get3A_3] : memref<1x1024x64xf32, #tpu.memory_space<vmem>>, vector<1x1024x64xf32>
    %get3A_5 = vector.shape_cast %get3A_4 : vector<1x1024x64xf32> to vector<1024x64xf32>
    %slice3A = vector.extract_strided_slice %get3A_5 {offsets = [0, 0], sizes = [1024, 32], strides = [1, 1]} : vector<1024x64xf32> to vector<1024x32xf32>
    %mul3A = arith.mulf %slice3A, %slice3A : vector<1024x32xf32>
    %reduce_sum3A = arith.constant dense<0.000000e+00> : vector<1024xf32>
    %reduce_sum3A_6 = vector.multi_reduction <add>, %mul3A, %reduce_sum3A [1] : vector<1024x32xf32> to vector<1024xf32>
    %broadcast_in_dim3A = vector.shape_cast %reduce_sum3A_6 : vector<1024xf32> to vector<1024x1xf32>
    %sqrt3A = math.sqrt %broadcast_in_dim3A : vector<1024x1xf32>
    %max3A = arith.constant 9.99999996E-13 : f32
    %max3A_7 = vector.broadcast %max3A : f32 to vector<1024x1xf32>
    %max3A_8 = arith.maximumf %sqrt3A, %max3A_7 : vector<1024x1xf32>
    %div3A = vector.broadcast %max3A_8 : vector<1024x1xf32> to vector<1024x32xf32>
    %div3A_9 = arith.divf %slice3A, %div3A : vector<1024x32xf32>
    %transpose3A = tpu.transpose %div3A_9, [1, 0] : vector<1024x32xf32> -> vector<32x1024xf32>
    %slice3A_10 = vector.extract_strided_slice %get3A_5 {offsets = [0, 32], sizes = [1024, 32], strides = [1, 1]} : vector<1024x64xf32> to vector<1024x32xf32>
    %mul3A_11 = arith.mulf %slice3A_10, %slice3A_10 : vector<1024x32xf32>
    %reduce_sum3A_12 = arith.constant dense<0.000000e+00> : vector<1024xf32>
    %reduce_sum3A_13 = vector.multi_reduction <add>, %mul3A_11, %reduce_sum3A_12 [1] : vector<1024x32xf32> to vector<1024xf32>
    %broadcast_in_dim3A_14 = vector.shape_cast %reduce_sum3A_13 : vector<1024xf32> to vector<1024x1xf32>
    %sqrt3A_15 = math.sqrt %broadcast_in_dim3A_14 : vector<1024x1xf32>
    %max3A_16 = arith.constant 9.99999996E-13 : f32
    %max3A_17 = vector.broadcast %max3A_16 : f32 to vector<1024x1xf32>
    %max3A_18 = arith.maximumf %sqrt3A_15, %max3A_17 : vector<1024x1xf32>
    %div3A_19 = vector.broadcast %max3A_18 : vector<1024x1xf32> to vector<1024x32xf32>
    %div3A_20 = arith.divf %slice3A_10, %div3A_19 : vector<1024x32xf32>
    %transpose3A_21 = tpu.transpose %div3A_20, [1, 0] : vector<1024x32xf32> -> vector<32x1024xf32>
    %broadcast_in_dim3A_22 = arith.constant 0xFF800000 : f32
    %broadcast_in_dim3A_23 = vector.broadcast %broadcast_in_dim3A_22 : f32 to vector<1x1024xf32>
    %broadcast_in_dim3A_24 = arith.constant 0 : i32
    %broadcast_in_dim3A_25 = vector.broadcast %broadcast_in_dim3A_24 : i32 to vector<1x1024xi32>
    %broadcast_in_dim3A_26 = arith.constant 0xFF800000 : f32
    %broadcast_in_dim3A_27 = vector.broadcast %broadcast_in_dim3A_26 : f32 to vector<1x1024xf32>
    %broadcast_in_dim3A_28 = arith.constant 0 : i32
    %broadcast_in_dim3A_29 = vector.broadcast %broadcast_in_dim3A_28 : i32 to vector<1x1024xi32>
    %iota3A = tpu.iota {dimensions = array<i32: 0>} : vector<2048x1024xi32>
    %convert_element_type3A_30 = arith.sitofp %iota3A : vector<2048x1024xi32> to vector<2048x1024xf32>
    %get3A_31 = arith.constant 0 : index
    %get3A_32 = arith.constant 0 : index
    %get3A_33 = vector.load %arg5[%get3A_31, %get3A_32] : memref<16384x32xf32, #tpu.memory_space<vmem>>, vector<2048x32xf32>
    %dot_general3A = arith.constant dense<0.000000e+00> : vector<2048x1024xf32>
    %dot_general3A_34 = tpu.matmul %get3A_33, %transpose3A, %dot_general3A {dimension_numbers = #tpu.dot_dimension_numbers<[1], [0], [0], [1], [0, 0, 1, 1], [], []>, transpose_lhs_hint = false} : vector<2048x32xf32>, vector<32x1024xf32>, vector<2048x1024xf32> -> vector<2048x1024xf32>
    %swap3A = arith.constant 0 : index
    %swap3A_35 = arith.constant 0 : index
    %swap3A_36 = vector.load %arg6[%swap3A, %swap3A_35] : memref<2048x1024xf32, #tpu.memory_space<vmem>>, vector<2048x1024xf32>
    tpu.vector_store %arg6[%swap3A, %swap3A_35], %dot_general3A_34 {strides = array<i32>} : memref<2048x1024xf32, #tpu.memory_space<vmem>>, vector<2048x1024xf32>,
    %get3A_37 = arith.constant 0 : index
    %get3A_38 = arith.constant 0 : index
    %get3A_39 = vector.load %arg6[%get3A_37, %get3A_38] : memref<2048x1024xf32, #tpu.memory_space<vmem>>, vector<2048x1024xf32>
    %reduce_max3A = arith.constant dense<0xFF800000> : vector<1024xf32>
    %reduce_max3A_40 = vector.multi_reduction <maximumf>, %get3A_39, %reduce_max3A [0] : vector<2048x1024xf32> to vector<1024xf32>
    %broadcast_in_dim3A_41 = vector.shape_cast %reduce_max3A_40 : vector<1024xf32> to vector<1x1024xf32>
    %eq3A_42 = vector.broadcast %broadcast_in_dim3A_41 : vector<1x1024xf32> to vector<2048x1024xf32>
    %eq3A_43 = arith.cmpf oeq, %get3A_39, %eq3A_42 : vector<2048x1024xf32>
    %jit3A = arith.constant 1.638400e+04 : f32
    %broadcast_in_dim3A_44 = vector.broadcast %jit3A : f32 to vector<2048x1024xf32>
    %select_n3A = arith.select %eq3A_43, %convert_element_type3A_30, %broadcast_in_dim3A_44 : vector<2048x1024xi1>, vector<2048x1024xf32>
    %reduce_min3A = arith.constant dense<0x7F800000> : vector<1024xf32>
    %reduce_min3A_45 = vector.multi_reduction <minimumf>, %select_n3A, %reduce_min3A [0] : vector<2048x1024xf32> to vector<1024xf32>
    %broadcast_in_dim3A_46 = vector.shape_cast %reduce_min3A_45 : vector<1024xf32> to vector<1x1024xf32>
    %convert_element_type3A_47 = arith.fptosi %broadcast_in_dim3A_46 : vector<1x1024xf32> to vector<1x1024xi32>
    %add3A = arith.constant 0 : i32
    %add3A_48 = vector.broadcast %add3A : i32 to vector<1x1024xi32>
    %add3A_49 = arith.addi %convert_element_type3A_47, %add3A_48 : vector<1x1024xi32>
    %gt3A = arith.cmpf ogt, %broadcast_in_dim3A_41, %broadcast_in_dim3A_23 : vector<1x1024xf32>
    %select_n3A_50 = arith.select %gt3A, %broadcast_in_dim3A_41, %broadcast_in_dim3A_23 : vector<1x1024xi1>, vector<1x1024xf32>
    %select_n3A_51 = arith.select %gt3A, %add3A_49, %broadcast_in_dim3A_25 : vector<1x1024xi1>, vector<1x1024xi32>
    %get3A_52 = arith.constant 8192 : index
    %get3A_53 = arith.constant 0 : index
    %get3A_54 = vector.load %arg5[%get3A_52, %get3A_53] : memref<16384x32xf32, #tpu.memory_space<vmem>>, vector<2048x32xf32>
    %dot_general3A_55 = arith.constant dense<0.000000e+00> : vector<2048x1024xf32>
    %dot_general3A_56 = tpu.matmul %get3A_54, %transpose3A_21, %dot_general3A_55 {dimension_numbers = #tpu.dot_dimension_numbers<[1], [0], [0], [1], [0, 0, 1, 1], [], []>, transpose_lhs_hint = false} : vector<2048x32xf32>, vector<32x1024xf32>, vector<2048x1024xf32> -> vector<2048x1024xf32>
    %swap3A_57 = arith.constant 0 : index
    %swap3A_58 = arith.constant 0 : index
    %swap3A_59 = vector.load %arg7[%swap3A_57, %swap3A_58] : memref<2048x1024xf32, #tpu.memory_space<vmem>>, vector<2048x1024xf32>
    tpu.vector_store %arg7[%swap3A_57, %swap3A_58], %dot_general3A_56 {strides = array<i32>} : memref<2048x1024xf32, #tpu.memory_space<vmem>>, vector<2048x1024xf32>,
    %get3A_60 = arith.constant 0 : index
    %get3A_61 = arith.constant 0 : index
    %get3A_62 = vector.load %arg7[%get3A_60, %get3A_61] : memref<2048x1024xf32, #tpu.memory_space<vmem>>, vector<2048x1024xf32>
    %reduce_max3A_63 = arith.constant dense<0xFF800000> : vector<1024xf32>
    %reduce_max3A_64 = vector.multi_reduction <maximumf>, %get3A_62, %reduce_max3A_63 [0] : vector<2048x1024xf32> to vector<1024xf32>
    %broadcast_in_dim3A_65 = vector.shape_cast %reduce_max3A_64 : vector<1024xf32> to vector<1x1024xf32>
    %eq3A_66 = vector.broadcast %broadcast_in_dim3A_65 : vector<1x1024xf32> to vector<2048x1024xf32>
    %eq3A_67 = arith.cmpf oeq, %get3A_62, %eq3A_66 : vector<2048x1024xf32>
    %jit3A_68 = arith.constant 1.638400e+04 : f32
    %broadcast_in_dim3A_69 = vector.broadcast %jit3A_68 : f32 to vector<2048x1024xf32>
    %select_n3A_70 = arith.select %eq3A_67, %convert_element_type3A_30, %broadcast_in_dim3A_69 : vector<2048x1024xi1>, vector<2048x1024xf32>
    %reduce_min3A_71 = arith.constant dense<0x7F800000> : vector<1024xf32>
    %reduce_min3A_72 = vector.multi_reduction <minimumf>, %select_n3A_70, %reduce_min3A_71 [0] : vector<2048x1024xf32> to vector<1024xf32>
    %broadcast_in_dim3A_73 = vector.shape_cast %reduce_min3A_72 : vector<1024xf32> to vector<1x1024xf32>
    %convert_element_type3A_74 = arith.fptosi %broadcast_in_dim3A_73 : vector<1x1024xf32> to vector<1x1024xi32>
    %add3A_75 = arith.constant 0 : i32
    %add3A_76 = vector.broadcast %add3A_75 : i32 to vector<1x1024xi32>
    %add3A_77 = arith.addi %convert_element_type3A_74, %add3A_76 : vector<1x1024xi32>
    %gt3A_78 = arith.cmpf ogt, %broadcast_in_dim3A_65, %broadcast_in_dim3A_27 : vector<1x1024xf32>
    %select_n3A_79 = arith.select %gt3A_78, %broadcast_in_dim3A_65, %broadcast_in_dim3A_27 : vector<1x1024xi1>, vector<1x1024xf32>
    %select_n3A_80 = arith.select %gt3A_78, %add3A_77, %broadcast_in_dim3A_29 : vector<1x1024xi1>, vector<1x1024xi32>
    %get3A_81 = arith.constant 2048 : index
    %get3A_82 = arith.constant 0 : index
    %get3A_83 = vector.load %arg5[%get3A_81, %get3A_82] : memref<16384x32xf32, #tpu.memory_space<vmem>>, vector<2048x32xf32>
    %dot_general3A_84 = arith.constant dense<0.000000e+00> : vector<2048x1024xf32>
    %dot_general3A_85 = tpu.matmul %get3A_83, %transpose3A, %dot_general3A_84 {dimension_numbers = #tpu.dot_dimension_numbers<[1], [0], [0], [1], [0, 0, 1, 1], [], []>, transpose_lhs_hint = false} : vector<2048x32xf32>, vector<32x1024xf32>, vector<2048x1024xf32> -> vector<2048x1024xf32>
    %swap3A_86 = arith.constant 0 : index
    %swap3A_87 = arith.constant 0 : index
    %swap3A_88 = vector.load %arg6[%swap3A_86, %swap3A_87] : memref<2048x1024xf32, #tpu.memory_space<vmem>>, vector<2048x1024xf32>
    tpu.vector_store %arg6[%swap3A_86, %swap3A_87], %dot_general3A_85 {strides = array<i32>} : memref<2048x1024xf32, #tpu.memory_space<vmem>>, vector<2048x1024xf32>,
    %get3A_89 = arith.constant 0 : index
    %get3A_90 = arith.constant 0 : index
    %get3A_91 = vector.load %arg6[%get3A_89, %get3A_90] : memref<2048x1024xf32, #tpu.memory_space<vmem>>, vector<2048x1024xf32>
    %reduce_max3A_92 = arith.constant dense<0xFF800000> : vector<1024xf32>
    %reduce_max3A_93 = vector.multi_reduction <maximumf>, %get3A_91, %reduce_max3A_92 [0] : vector<2048x1024xf32> to vector<1024xf32>
    %broadcast_in_dim3A_94 = vector.shape_cast %reduce_max3A_93 : vector<1024xf32> to vector<1x1024xf32>
    %eq3A_95 = vector.broadcast %broadcast_in_dim3A_94 : vector<1x1024xf32> to vector<2048x1024xf32>
    %eq3A_96 = arith.cmpf oeq, %get3A_91, %eq3A_95 : vector<2048x1024xf32>
    %jit3A_97 = arith.constant 1.638400e+04 : f32
    %broadcast_in_dim3A_98 = vector.broadcast %jit3A_97 : f32 to vector<2048x1024xf32>
    %select_n3A_99 = arith.select %eq3A_96, %convert_element_type3A_30, %broadcast_in_dim3A_98 : vector<2048x1024xi1>, vector<2048x1024xf32>
    %reduce_min3A_100 = arith.constant dense<0x7F800000> : vector<1024xf32>
    %reduce_min3A_101 = vector.multi_reduction <minimumf>, %select_n3A_99, %reduce_min3A_100 [0] : vector<2048x1024xf32> to vector<1024xf32>
    %broadcast_in_dim3A_102 = vector.shape_cast %reduce_min3A_101 : vector<1024xf32> to vector<1x1024xf32>
    %convert_element_type3A_103 = arith.fptosi %broadcast_in_dim3A_102 : vector<1x1024xf32> to vector<1x1024xi32>
    %add3A_104 = arith.constant 2048 : i32
    %add3A_105 = vector.broadcast %add3A_104 : i32 to vector<1x1024xi32>
    %add3A_106 = arith.addi %convert_element_type3A_103, %add3A_105 : vector<1x1024xi32>
    %gt3A_107 = arith.cmpf ogt, %broadcast_in_dim3A_94, %select_n3A_50 : vector<1x1024xf32>
    %select_n3A_108 = arith.select %gt3A_107, %broadcast_in_dim3A_94, %select_n3A_50 : vector<1x1024xi1>, vector<1x1024xf32>
    %select_n3A_109 = arith.select %gt3A_107, %add3A_106, %select_n3A_51 : vector<1x1024xi1>, vector<1x1024xi32>
    %get3A_110 = arith.constant 10240 : index
    %get3A_111 = arith.constant 0 : index
    %get3A_112 = vector.load %arg5[%get3A_110, %get3A_111] : memref<16384x32xf32, #tpu.memory_space<vmem>>, vector<2048x32xf32>
    %dot_general3A_113 = arith.constant dense<0.000000e+00> : vector<2048x1024xf32>
    %dot_general3A_114 = tpu.matmul %get3A_112, %transpose3A_21, %dot_general3A_113 {dimension_numbers = #tpu.dot_dimension_numbers<[1], [0], [0], [1], [0, 0, 1, 1], [], []>, transpose_lhs_hint = false} : vector<2048x32xf32>, vector<32x1024xf32>, vector<2048x1024xf32> -> vector<2048x1024xf32>
    %swap3A_115 = arith.constant 0 : index
    %swap3A_116 = arith.constant 0 : index
    %swap3A_117 = vector.load %arg7[%swap3A_115, %swap3A_116] : memref<2048x1024xf32, #tpu.memory_space<vmem>>, vector<2048x1024xf32>
    tpu.vector_store %arg7[%swap3A_115, %swap3A_116], %dot_general3A_114 {strides = array<i32>} : memref<2048x1024xf32, #tpu.memory_space<vmem>>, vector<2048x1024xf32>,
    %get3A_118 = arith.constant 0 : index
    %get3A_119 = arith.constant 0 : index
    %get3A_120 = vector.load %arg7[%get3A_118, %get3A_119] : memref<2048x1024xf32, #tpu.memory_space<vmem>>, vector<2048x1024xf32>
    %reduce_max3A_121 = arith.constant dense<0xFF800000> : vector<1024xf32>
    %reduce_max3A_122 = vector.multi_reduction <maximumf>, %get3A_120, %reduce_max3A_121 [0] : vector<2048x1024xf32> to vector<1024xf32>
    %broadcast_in_dim3A_123 = vector.shape_cast %reduce_max3A_122 : vector<1024xf32> to vector<1x1024xf32>
    %eq3A_124 = vector.broadcast %broadcast_in_dim3A_123 : vector<1x1024xf32> to vector<2048x1024xf32>
    %eq3A_125 = arith.cmpf oeq, %get3A_120, %eq3A_124 : vector<2048x1024xf32>
    %jit3A_126 = arith.constant 1.638400e+04 : f32
    %broadcast_in_dim3A_127 = vector.broadcast %jit3A_126 : f32 to vector<2048x1024xf32>
    %select_n3A_128 = arith.select %eq3A_125, %convert_element_type3A_30, %broadcast_in_dim3A_127 : vector<2048x1024xi1>, vector<2048x1024xf32>
    %reduce_min3A_129 = arith.constant dense<0x7F800000> : vector<1024xf32>
    %reduce_min3A_130 = vector.multi_reduction <minimumf>, %select_n3A_128, %reduce_min3A_129 [0] : vector<2048x1024xf32> to vector<1024xf32>
    %broadcast_in_dim3A_131 = vector.shape_cast %reduce_min3A_130 : vector<1024xf32> to vector<1x1024xf32>
    %convert_element_type3A_132 = arith.fptosi %broadcast_in_dim3A_131 : vector<1x1024xf32> to vector<1x1024xi32>
    %add3A_133 = arith.constant 2048 : i32
    %add3A_134 = vector.broadcast %add3A_133 : i32 to vector<1x1024xi32>
    %add3A_135 = arith.addi %convert_element_type3A_132, %add3A_134 : vector<1x1024xi32>
    %gt3A_136 = arith.cmpf ogt, %broadcast_in_dim3A_123, %select_n3A_79 : vector<1x1024xf32>
    %select_n3A_137 = arith.select %gt3A_136, %broadcast_in_dim3A_123, %select_n3A_79 : vector<1x1024xi1>, vector<1x1024xf32>
    %select_n3A_138 = arith.select %gt3A_136, %add3A_135, %select_n3A_80 : vector<1x1024xi1>, vector<1x1024xi32>
    %get3A_139 = arith.constant 4096 : index
    %get3A_140 = arith.constant 0 : index
    %get3A_141 = vector.load %arg5[%get3A_139, %get3A_140] : memref<16384x32xf32, #tpu.memory_space<vmem>>, vector<2048x32xf32>
    %dot_general3A_142 = arith.constant dense<0.000000e+00> : vector<2048x1024xf32>
    %dot_general3A_143 = tpu.matmul %get3A_141, %transpose3A, %dot_general3A_142 {dimension_numbers = #tpu.dot_dimension_numbers<[1], [0], [0], [1], [0, 0, 1, 1], [], []>, transpose_lhs_hint = false} : vector<2048x32xf32>, vector<32x1024xf32>, vector<2048x1024xf32> -> vector<2048x1024xf32>
    %swap3A_144 = arith.constant 0 : index
    %swap3A_145 = arith.constant 0 : index
    %swap3A_146 = vector.load %arg6[%swap3A_144, %swap3A_145] : memref<2048x1024xf32, #tpu.memory_space<vmem>>, vector<2048x1024xf32>
    tpu.vector_store %arg6[%swap3A_144, %swap3A_145], %dot_general3A_143 {strides = array<i32>} : memref<2048x1024xf32, #tpu.memory_space<vmem>>, vector<2048x1024xf32>,
    %get3A_147 = arith.constant 0 : index
    %get3A_148 = arith.constant 0 : index
    %get3A_149 = vector.load %arg6[%get3A_147, %get3A_148] : memref<2048x1024xf32, #tpu.memory_space<vmem>>, vector<2048x1024xf32>
    %reduce_max3A_150 = arith.constant dense<0xFF800000> : vector<1024xf32>
    %reduce_max3A_151 = vector.multi_reduction <maximumf>, %get3A_149, %reduce_max3A_150 [0] : vector<2048x1024xf32> to vector<1024xf32>
    %broadcast_in_dim3A_152 = vector.shape_cast %reduce_max3A_151 : vector<1024xf32> to vector<1x1024xf32>
    %eq3A_153 = vector.broadcast %broadcast_in_dim3A_152 : vector<1x1024xf32> to vector<2048x1024xf32>
    %eq3A_154 = arith.cmpf oeq, %get3A_149, %eq3A_153 : vector<2048x1024xf32>
    %jit3A_155 = arith.constant 1.638400e+04 : f32
    %broadcast_in_dim3A_156 = vector.broadcast %jit3A_155 : f32 to vector<2048x1024xf32>
    %select_n3A_157 = arith.select %eq3A_154, %convert_element_type3A_30, %broadcast_in_dim3A_156 : vector<2048x1024xi1>, vector<2048x1024xf32>
    %reduce_min3A_158 = arith.constant dense<0x7F800000> : vector<1024xf32>
    %reduce_min3A_159 = vector.multi_reduction <minimumf>, %select_n3A_157, %reduce_min3A_158 [0] : vector<2048x1024xf32> to vector<1024xf32>
    %broadcast_in_dim3A_160 = vector.shape_cast %reduce_min3A_159 : vector<1024xf32> to vector<1x1024xf32>
    %convert_element_type3A_161 = arith.fptosi %broadcast_in_dim3A_160 : vector<1x1024xf32> to vector<1x1024xi32>
    %add3A_162 = arith.constant 4096 : i32
    %add3A_163 = vector.broadcast %add3A_162 : i32 to vector<1x1024xi32>
    %add3A_164 = arith.addi %convert_element_type3A_161, %add3A_163 : vector<1x1024xi32>
    %gt3A_165 = arith.cmpf ogt, %broadcast_in_dim3A_152, %select_n3A_108 : vector<1x1024xf32>
    %select_n3A_166 = arith.select %gt3A_165, %broadcast_in_dim3A_152, %select_n3A_108 : vector<1x1024xi1>, vector<1x1024xf32>
    %select_n3A_167 = arith.select %gt3A_165, %add3A_164, %select_n3A_109 : vector<1x1024xi1>, vector<1x1024xi32>
    %get3A_168 = arith.constant 12288 : index
    %get3A_169 = arith.constant 0 : index
    %get3A_170 = vector.load %arg5[%get3A_168, %get3A_169] : memref<16384x32xf32, #tpu.memory_space<vmem>>, vector<2048x32xf32>
    %dot_general3A_171 = arith.constant dense<0.000000e+00> : vector<2048x1024xf32>
    %dot_general3A_172 = tpu.matmul %get3A_170, %transpose3A_21, %dot_general3A_171 {dimension_numbers = #tpu.dot_dimension_numbers<[1], [0], [0], [1], [0, 0, 1, 1], [], []>, transpose_lhs_hint = false} : vector<2048x32xf32>, vector<32x1024xf32>, vector<2048x1024xf32> -> vector<2048x1024xf32>
    %swap3A_173 = arith.constant 0 : index
    %swap3A_174 = arith.constant 0 : index
    %swap3A_175 = vector.load %arg7[%swap3A_173, %swap3A_174] : memref<2048x1024xf32, #tpu.memory_space<vmem>>, vector<2048x1024xf32>
    tpu.vector_store %arg7[%swap3A_173, %swap3A_174], %dot_general3A_172 {strides = array<i32>} : memref<2048x1024xf32, #tpu.memory_space<vmem>>, vector<2048x1024xf32>,
    %get3A_176 = arith.constant 0 : index
    %get3A_177 = arith.constant 0 : index
    %get3A_178 = vector.load %arg7[%get3A_176, %get3A_177] : memref<2048x1024xf32, #tpu.memory_space<vmem>>, vector<2048x1024xf32>
    %reduce_max3A_179 = arith.constant dense<0xFF800000> : vector<1024xf32>
    %reduce_max3A_180 = vector.multi_reduction <maximumf>, %get3A_178, %reduce_max3A_179 [0] : vector<2048x1024xf32> to vector<1024xf32>
    %broadcast_in_dim3A_181 = vector.shape_cast %reduce_max3A_180 : vector<1024xf32> to vector<1x1024xf32>
    %eq3A_182 = vector.broadcast %broadcast_in_dim3A_181 : vector<1x1024xf32> to vector<2048x1024xf32>
    %eq3A_183 = arith.cmpf oeq, %get3A_178, %eq3A_182 : vector<2048x1024xf32>
    %jit3A_184 = arith.constant 1.638400e+04 : f32
    %broadcast_in_dim3A_185 = vector.broadcast %jit3A_184 : f32 to vector<2048x1024xf32>
    %select_n3A_186 = arith.select %eq3A_183, %convert_element_type3A_30, %broadcast_in_dim3A_185 : vector<2048x1024xi1>, vector<2048x1024xf32>
    %reduce_min3A_187 = arith.constant dense<0x7F800000> : vector<1024xf32>
    %reduce_min3A_188 = vector.multi_reduction <minimumf>, %select_n3A_186, %reduce_min3A_187 [0] : vector<2048x1024xf32> to vector<1024xf32>
    %broadcast_in_dim3A_189 = vector.shape_cast %reduce_min3A_188 : vector<1024xf32> to vector<1x1024xf32>
    %convert_element_type3A_190 = arith.fptosi %broadcast_in_dim3A_189 : vector<1x1024xf32> to vector<1x1024xi32>
    %add3A_191 = arith.constant 4096 : i32
    %add3A_192 = vector.broadcast %add3A_191 : i32 to vector<1x1024xi32>
    %add3A_193 = arith.addi %convert_element_type3A_190, %add3A_192 : vector<1x1024xi32>
    %gt3A_194 = arith.cmpf ogt, %broadcast_in_dim3A_181, %select_n3A_137 : vector<1x1024xf32>
    %select_n3A_195 = arith.select %gt3A_194, %broadcast_in_dim3A_181, %select_n3A_137 : vector<1x1024xi1>, vector<1x1024xf32>
    %select_n3A_196 = arith.select %gt3A_194, %add3A_193, %select_n3A_138 : vector<1x1024xi1>, vector<1x1024xi32>
    %get3A_197 = arith.constant 6144 : index
    %get3A_198 = arith.constant 0 : index
    %get3A_199 = vector.load %arg5[%get3A_197, %get3A_198] : memref<16384x32xf32, #tpu.memory_space<vmem>>, vector<2048x32xf32>
    %dot_general3A_200 = arith.constant dense<0.000000e+00> : vector<2048x1024xf32>
    %dot_general3A_201 = tpu.matmul %get3A_199, %transpose3A, %dot_general3A_200 {dimension_numbers = #tpu.dot_dimension_numbers<[1], [0], [0], [1], [0, 0, 1, 1], [], []>, transpose_lhs_hint = false} : vector<2048x32xf32>, vector<32x1024xf32>, vector<2048x1024xf32> -> vector<2048x1024xf32>
    %swap3A_202 = arith.constant 0 : index
    %swap3A_203 = arith.constant 0 : index
    %swap3A_204 = vector.load %arg6[%swap3A_202, %swap3A_203] : memref<2048x1024xf32, #tpu.memory_space<vmem>>, vector<2048x1024xf32>
    tpu.vector_store %arg6[%swap3A_202, %swap3A_203], %dot_general3A_201 {strides = array<i32>} : memref<2048x1024xf32, #tpu.memory_space<vmem>>, vector<2048x1024xf32>,
    %get3A_205 = arith.constant 0 : index
    %get3A_206 = arith.constant 0 : index
    %get3A_207 = vector.load %arg6[%get3A_205, %get3A_206] : memref<2048x1024xf32, #tpu.memory_space<vmem>>, vector<2048x1024xf32>
    %reduce_max3A_208 = arith.constant dense<0xFF800000> : vector<1024xf32>
    %reduce_max3A_209 = vector.multi_reduction <maximumf>, %get3A_207, %reduce_max3A_208 [0] : vector<2048x1024xf32> to vector<1024xf32>
    %broadcast_in_dim3A_210 = vector.shape_cast %reduce_max3A_209 : vector<1024xf32> to vector<1x1024xf32>
    %eq3A_211 = vector.broadcast %broadcast_in_dim3A_210 : vector<1x1024xf32> to vector<2048x1024xf32>
    %eq3A_212 = arith.cmpf oeq, %get3A_207, %eq3A_211 : vector<2048x1024xf32>
    %jit3A_213 = arith.constant 1.638400e+04 : f32
    %broadcast_in_dim3A_214 = vector.broadcast %jit3A_213 : f32 to vector<2048x1024xf32>
    %select_n3A_215 = arith.select %eq3A_212, %convert_element_type3A_30, %broadcast_in_dim3A_214 : vector<2048x1024xi1>, vector<2048x1024xf32>
    %reduce_min3A_216 = arith.constant dense<0x7F800000> : vector<1024xf32>
    %reduce_min3A_217 = vector.multi_reduction <minimumf>, %select_n3A_215, %reduce_min3A_216 [0] : vector<2048x1024xf32> to vector<1024xf32>
    %broadcast_in_dim3A_218 = vector.shape_cast %reduce_min3A_217 : vector<1024xf32> to vector<1x1024xf32>
    %convert_element_type3A_219 = arith.fptosi %broadcast_in_dim3A_218 : vector<1x1024xf32> to vector<1x1024xi32>
    %add3A_220 = arith.constant 6144 : i32
    %add3A_221 = vector.broadcast %add3A_220 : i32 to vector<1x1024xi32>
    %add3A_222 = arith.addi %convert_element_type3A_219, %add3A_221 : vector<1x1024xi32>
    %gt3A_223 = arith.cmpf ogt, %broadcast_in_dim3A_210, %select_n3A_166 : vector<1x1024xf32>
    %select_n3A_224 = arith.select %gt3A_223, %add3A_222, %select_n3A_167 : vector<1x1024xi1>, vector<1x1024xi32>
    %get3A_225 = arith.constant 14336 : index
    %get3A_226 = arith.constant 0 : index
    %get3A_227 = vector.load %arg5[%get3A_225, %get3A_226] : memref<16384x32xf32, #tpu.memory_space<vmem>>, vector<2048x32xf32>
    %dot_general3A_228 = arith.constant dense<0.000000e+00> : vector<2048x1024xf32>
    %dot_general3A_229 = tpu.matmul %get3A_227, %transpose3A_21, %dot_general3A_228 {dimension_numbers = #tpu.dot_dimension_numbers<[1], [0], [0], [1], [0, 0, 1, 1], [], []>, transpose_lhs_hint = false} : vector<2048x32xf32>, vector<32x1024xf32>, vector<2048x1024xf32> -> vector<2048x1024xf32>
    %swap3A_230 = arith.constant 0 : index
    %swap3A_231 = arith.constant 0 : index
    %swap3A_232 = vector.load %arg7[%swap3A_230, %swap3A_231] : memref<2048x1024xf32, #tpu.memory_space<vmem>>, vector<2048x1024xf32>
    tpu.vector_store %arg7[%swap3A_230, %swap3A_231], %dot_general3A_229 {strides = array<i32>} : memref<2048x1024xf32, #tpu.memory_space<vmem>>, vector<2048x1024xf32>,
    %get3A_233 = arith.constant 0 : index
    %get3A_234 = arith.constant 0 : index
    %get3A_235 = vector.load %arg7[%get3A_233, %get3A_234] : memref<2048x1024xf32, #tpu.memory_space<vmem>>, vector<2048x1024xf32>
    %reduce_max3A_236 = arith.constant dense<0xFF800000> : vector<1024xf32>
    %reduce_max3A_237 = vector.multi_reduction <maximumf>, %get3A_235, %reduce_max3A_236 [0] : vector<2048x1024xf32> to vector<1024xf32>
    %broadcast_in_dim3A_238 = vector.shape_cast %reduce_max3A_237 : vector<1024xf32> to vector<1x1024xf32>
    %eq3A_239 = vector.broadcast %broadcast_in_dim3A_238 : vector<1x1024xf32> to vector<2048x1024xf32>
    %eq3A_240 = arith.cmpf oeq, %get3A_235, %eq3A_239 : vector<2048x1024xf32>
    %jit3A_241 = arith.constant 1.638400e+04 : f32
    %broadcast_in_dim3A_242 = vector.broadcast %jit3A_241 : f32 to vector<2048x1024xf32>
    %select_n3A_243 = arith.select %eq3A_240, %convert_element_type3A_30, %broadcast_in_dim3A_242 : vector<2048x1024xi1>, vector<2048x1024xf32>
    %reduce_min3A_244 = arith.constant dense<0x7F800000> : vector<1024xf32>
    %reduce_min3A_245 = vector.multi_reduction <minimumf>, %select_n3A_243, %reduce_min3A_244 [0] : vector<2048x1024xf32> to vector<1024xf32>
    %broadcast_in_dim3A_246 = vector.shape_cast %reduce_min3A_245 : vector<1024xf32> to vector<1x1024xf32>
    %convert_element_type3A_247 = arith.fptosi %broadcast_in_dim3A_246 : vector<1x1024xf32> to vector<1x1024xi32>
    %add3A_248 = arith.constant 6144 : i32
    %add3A_249 = vector.broadcast %add3A_248 : i32 to vector<1x1024xi32>
    %add3A_250 = arith.addi %convert_element_type3A_247, %add3A_249 : vector<1x1024xi32>
    %gt3A_251 = arith.cmpf ogt, %broadcast_in_dim3A_238, %select_n3A_195 : vector<1x1024xf32>
    %select_n3A_252 = arith.select %gt3A_251, %add3A_250, %select_n3A_196 : vector<1x1024xi1>, vector<1x1024xi32>
    %squeeze3A = vector.shape_cast %select_n3A_224 : vector<1x1024xi32> to vector<1024xi32>
    %swap3A_253 = arith.constant 0 : index
    %swap3A_254 = arith.constant 0 : index
    %swap3A_255 = arith.constant 0 : index
    %swap3A_256 = vector.load %arg3[%swap3A_253, %swap3A_254, %swap3A_255] : memref<1x2x1024xi32, #tpu.memory_space<vmem>>, vector<1x1x1024xi32>
    %swap3A_257 = vector.shape_cast %swap3A_256 : vector<1x1x1024xi32> to vector<1024xi32>
    %swap3A_258 = vector.shape_cast %squeeze3A : vector<1024xi32> to vector<1x1x1024xi32>
    tpu.vector_store %arg3[%swap3A_253, %swap3A_254, %swap3A_255], %swap3A_258 {strides = array<i32>} : memref<1x2x1024xi32, #tpu.memory_space<vmem>>, vector<1x1x1024xi32>,
    %squeeze3A_259 = vector.shape_cast %select_n3A_252 : vector<1x1024xi32> to vector<1024xi32>
    %swap3A_260 = arith.constant 0 : index
    %swap3A_261 = arith.constant 1 : index
    %swap3A_262 = arith.constant 0 : index
    %swap3A_263 = vector.load %arg3[%swap3A_260, %swap3A_261, %swap3A_262] : memref<1x2x1024xi32, #tpu.memory_space<vmem>>, vector<1x1x1024xi32>
    %swap3A_264 = vector.shape_cast %swap3A_263 : vector<1x1x1024xi32> to vector<1024xi32>
    %swap3A_265 = vector.shape_cast %squeeze3A_259 : vector<1024xi32> to vector<1x1x1024xi32>
    tpu.vector_store %arg3[%swap3A_260, %swap3A_261, %swap3A_262], %swap3A_265 {strides = array<i32>} : memref<1x2x1024xi32, #tpu.memory_space<vmem>>, vector<1x1x1024xi32>,
    return
  }
  func.func @transform_0(%arg0: i32) -> (i32, i32, i32) {
    %c0_i32 = arith.constant 0 : i32
    %c0_i32_0 = arith.constant 0 : i32
    %c0_i32_1 = arith.constant 0 : i32
    return %arg0, %c0_i32, %c0_i32_0 : i32, i32, i32
  }
  func.func @transform_1(%arg0: i32) -> (i32, i32) {
    %c0_i32 = arith.constant 0 : i32
    %c0_i32_0 = arith.constant 0 : i32
    %c0_i32_1 = arith.constant 0 : i32
    return %c0_i32, %c0_i32_0 : i32, i32
  }
  func.func @transform_2(%arg0: i32) -> (i32, i32, i32) {
    %c0_i32 = arith.constant 0 : i32
    %c0_i32_0 = arith.constant 0 : i32
    %c0_i32_1 = arith.constant 0 : i32
    return %arg0, %c0_i32, %c0_i32_0 : i32, i32, i32
  }
  func.func @transform_3(%arg0: i32) -> (i32, i32) {
    %c0_i32 = arith.constant 0 : i32
    %c0_i32_0 = arith.constant 0 : i32
    %c0_i32_1 = arith.constant 0 : i32
    return %c0_i32, %c0_i32_0 : i32, i32
  }
}

module attributes {stable_mosaic.version = 14 : i64} {
  func.func @_epi_kernel(%arg0: i32, %arg1: memref<1x1024x64xf32, #tpu.memory_space<vmem>>, %arg2: memref<1x2x1024x128xf32, #tpu.memory_space<vmem>>, %arg3: memref<1x1024x64xf32, #tpu.memory_space<vmem>>, %arg4: memref<1x1xf32, #tpu.memory_space<vmem>>) attributes {dimension_semantics = [#tpu.dimension_semantics<arbitrary>], iteration_bounds = array<i64: 4>, scalar_prefetch = 0 : i64, scratch_operands = 0 : i64, tpu.core_type = #tpu.core_type<tc>, window_params = [{transform_indices = @transform_0, window_bounds = array<i64: 1, 1024, 64>}, {transform_indices = @transform_1, window_bounds = array<i64: 1, 2, 1024, 128>}, {transform_indices = @transform_2, window_bounds = array<i64: 1, 1024, 64>}, {pipeline_mode = #tpu.pipeline_mode<synchronous>, transform_indices = @transform_3, window_bounds = array<i64: 1, 1>}]} {
    %get3A = arith.constant 0 : index
    %get3A_0 = arith.constant 0 : index
    %get3A_1 = arith.constant 0 : index
    %get3A_2 = vector.load %arg1[%get3A, %get3A_0, %get3A_1] : memref<1x1024x64xf32, #tpu.memory_space<vmem>>, vector<1x1024x64xf32>
    %get3A_3 = vector.shape_cast %get3A_2 : vector<1x1024x64xf32> to vector<1024x64xf32>
    %slice3A = vector.extract_strided_slice %get3A_3 {offsets = [0, 0], sizes = [1024, 32], strides = [1, 1]} : vector<1024x64xf32> to vector<1024x32xf32>
    %mul3A = arith.mulf %slice3A, %slice3A : vector<1024x32xf32>
    %reduce_sum3A = arith.constant dense<0.000000e+00> : vector<1024xf32>
    %reduce_sum3A_4 = vector.multi_reduction <add>, %mul3A, %reduce_sum3A [1] : vector<1024x32xf32> to vector<1024xf32>
    %broadcast_in_dim3A = vector.shape_cast %reduce_sum3A_4 : vector<1024xf32> to vector<1024x1xf32>
    %sqrt3A = math.sqrt %broadcast_in_dim3A : vector<1024x1xf32>
    %max3A = arith.constant 9.99999996E-13 : f32
    %max3A_5 = vector.broadcast %max3A : f32 to vector<1024x1xf32>
    %max3A_6 = arith.maximumf %sqrt3A, %max3A_5 : vector<1024x1xf32>
    %div3A = vector.broadcast %max3A_6 : vector<1024x1xf32> to vector<1024x32xf32>
    %div3A_7 = arith.divf %slice3A, %div3A : vector<1024x32xf32>
    %slice3A_8 = vector.extract_strided_slice %get3A_3 {offsets = [0, 32], sizes = [1024, 32], strides = [1, 1]} : vector<1024x64xf32> to vector<1024x32xf32>
    %mul3A_9 = arith.mulf %slice3A_8, %slice3A_8 : vector<1024x32xf32>
    %reduce_sum3A_10 = arith.constant dense<0.000000e+00> : vector<1024xf32>
    %reduce_sum3A_11 = vector.multi_reduction <add>, %mul3A_9, %reduce_sum3A_10 [1] : vector<1024x32xf32> to vector<1024xf32>
    %broadcast_in_dim3A_12 = vector.shape_cast %reduce_sum3A_11 : vector<1024xf32> to vector<1024x1xf32>
    %sqrt3A_13 = math.sqrt %broadcast_in_dim3A_12 : vector<1024x1xf32>
    %max3A_14 = arith.constant 9.99999996E-13 : f32
    %max3A_15 = vector.broadcast %max3A_14 : f32 to vector<1024x1xf32>
    %max3A_16 = arith.maximumf %sqrt3A_13, %max3A_15 : vector<1024x1xf32>
    %div3A_17 = vector.broadcast %max3A_16 : vector<1024x1xf32> to vector<1024x32xf32>
    %div3A_18 = arith.divf %slice3A_8, %div3A_17 : vector<1024x32xf32>
    %get3A_19 = arith.constant 0 : index
    %get3A_20 = arith.constant 0 : index
    %get3A_21 = arith.constant 0 : index
    %get3A_22 = arith.constant 0 : index
    %get3A_23 = vector.load %arg2[%get3A_19, %get3A_20, %get3A_21, %get3A_22] : memref<1x2x1024x128xf32, #tpu.memory_space<vmem>>, vector<1x1x1024x128xf32>
    %get3A_24 = vector.shape_cast %get3A_23 : vector<1x1x1024x128xf32> to vector<1024x128xf32>
    %slice3A_25 = vector.extract_strided_slice %get3A_24 {offsets = [0, 0], sizes = [1024, 32], strides = [1, 1]} : vector<1024x128xf32> to vector<1024x32xf32>
    %get3A_26 = arith.constant 0 : index
    %get3A_27 = arith.constant 1 : index
    %get3A_28 = arith.constant 0 : index
    %get3A_29 = arith.constant 0 : index
    %get3A_30 = vector.load %arg2[%get3A_26, %get3A_27, %get3A_28, %get3A_29] : memref<1x2x1024x128xf32, #tpu.memory_space<vmem>>, vector<1x1x1024x128xf32>
    %get3A_31 = vector.shape_cast %get3A_30 : vector<1x1x1024x128xf32> to vector<1024x128xf32>
    %slice3A_32 = vector.extract_strided_slice %get3A_31 {offsets = [0, 0], sizes = [1024, 32], strides = [1, 1]} : vector<1024x128xf32> to vector<1024x32xf32>
    %sub3A = arith.subf %slice3A_25, %div3A_7 : vector<1024x32xf32>
    %add3A = arith.addf %div3A_7, %sub3A : vector<1024x32xf32>
    %sub3A_33 = arith.subf %slice3A_32, %div3A_18 : vector<1024x32xf32>
    %add3A_34 = arith.addf %div3A_18, %sub3A_33 : vector<1024x32xf32>
    %concatenate3A = tpu.concatenate %add3A, %add3A_34 in 1 : vector<1024x32xf32>, vector<1024x32xf32> -> vector<1024x64xf32>
    %swap3A = arith.constant 0 : index
    %swap3A_35 = arith.constant 0 : index
    %swap3A_36 = arith.constant 0 : index
    %swap3A_37 = vector.load %arg3[%swap3A, %swap3A_35, %swap3A_36] : memref<1x1024x64xf32, #tpu.memory_space<vmem>>, vector<1x1024x64xf32>
    %swap3A_38 = vector.shape_cast %swap3A_37 : vector<1x1024x64xf32> to vector<1024x64xf32>
    %swap3A_39 = vector.shape_cast %concatenate3A : vector<1024x64xf32> to vector<1x1024x64xf32>
    tpu.vector_store %arg3[%swap3A, %swap3A_35, %swap3A_36], %swap3A_39 {strides = array<i32>} : memref<1x1024x64xf32, #tpu.memory_space<vmem>>, vector<1x1024x64xf32>,
    %sub3A_40 = arith.subf %slice3A_25, %div3A_7 : vector<1024x32xf32>
    %integer_pow3A = arith.mulf %sub3A_40, %sub3A_40 : vector<1024x32xf32>
    %reduce_sum3A_41 = vector.shape_cast %integer_pow3A : vector<1024x32xf32> to vector<1x1024x32xf32>
    %reduce_sum3A_42 = arith.constant dense<0.000000e+00> : vector<1xf32>
    %reduce_sum3A_43 = vector.multi_reduction <add>, %reduce_sum3A_41, %reduce_sum3A_42 [1, 2] : vector<1x1024x32xf32> to vector<1xf32>
    %reduce_sum3A_44 = vector.shape_cast %reduce_sum3A_43 : vector<1xf32> to vector<1x1x1xf32>
    %reduce_sum3A_45 = vector.extract %reduce_sum3A_44[0, 0, 0] : f32 from vector<1x1x1xf32>
    %broadcast_in_dim3A_46 = vector.broadcast %reduce_sum3A_45 : f32 to vector<1x1xf32>
    %sub3A_47 = arith.subf %slice3A_32, %div3A_18 : vector<1024x32xf32>
    %integer_pow3A_48 = arith.mulf %sub3A_47, %sub3A_47 : vector<1024x32xf32>
    %reduce_sum3A_49 = vector.shape_cast %integer_pow3A_48 : vector<1024x32xf32> to vector<1x1024x32xf32>
    %reduce_sum3A_50 = arith.constant dense<0.000000e+00> : vector<1xf32>
    %reduce_sum3A_51 = vector.multi_reduction <add>, %reduce_sum3A_49, %reduce_sum3A_50 [1, 2] : vector<1x1024x32xf32> to vector<1xf32>
    %reduce_sum3A_52 = vector.shape_cast %reduce_sum3A_51 : vector<1xf32> to vector<1x1x1xf32>
    %reduce_sum3A_53 = vector.extract %reduce_sum3A_52[0, 0, 0] : f32 from vector<1x1x1xf32>
    %broadcast_in_dim3A_54 = vector.broadcast %reduce_sum3A_53 : f32 to vector<1x1xf32>
    %add3A_55 = arith.addf %broadcast_in_dim3A_46, %broadcast_in_dim3A_54 : vector<1x1xf32>
    %eq3A = arith.constant 0 : i32
    %eq3A_56 = arith.cmpi eq, %arg0, %eq3A : i32
    %convert_element_type3A = arith.extui %eq3A_56 : i1 to i32
    %cond3A = arith.constant 0 : i32
    %cond3A_57 = arith.cmpi ne, %convert_element_type3A, %cond3A : i32
    scf.if %cond3A_57 {
      %swap3A_62 = arith.constant 0 : index
      %swap3A_63 = arith.constant 0 : index
      %swap3A_64 = vector.load %arg4[%swap3A_62, %swap3A_63] : memref<1x1xf32, #tpu.memory_space<vmem>>, vector<1x1xf32>
      tpu.vector_store %arg4[%swap3A_62, %swap3A_63], %add3A_55 {strides = array<i32>} : memref<1x1xf32, #tpu.memory_space<vmem>>, vector<1x1xf32>,
    } else {
    }
    %gt3A = arith.constant 0 : i32
    %gt3A_58 = arith.cmpi sgt, %arg0, %gt3A : i32
    %convert_element_type3A_59 = arith.extui %gt3A_58 : i1 to i32
    %cond3A_60 = arith.constant 0 : i32
    %cond3A_61 = arith.cmpi ne, %convert_element_type3A_59, %cond3A_60 : i32
    scf.if %cond3A_61 {
      %get3A_62 = arith.constant 0 : index
      %get3A_63 = arith.constant 0 : index
      %get3A_64 = vector.load %arg4[%get3A_62, %get3A_63] : memref<1x1xf32, #tpu.memory_space<vmem>>, vector<1x1xf32>
      %add3A_65 = arith.addf %get3A_64, %add3A_55 : vector<1x1xf32>
      %swap3A_66 = arith.constant 0 : index
      %swap3A_67 = arith.constant 0 : index
      %swap3A_68 = vector.load %arg4[%swap3A_66, %swap3A_67] : memref<1x1xf32, #tpu.memory_space<vmem>>, vector<1x1xf32>
      tpu.vector_store %arg4[%swap3A_66, %swap3A_67], %add3A_65 {strides = array<i32>} : memref<1x1xf32, #tpu.memory_space<vmem>>, vector<1x1xf32>,
    } else {
    }
    return
  }
  func.func @transform_0(%arg0: i32) -> (i32, i32, i32) {
    %c0_i32 = arith.constant 0 : i32
    %c0_i32_0 = arith.constant 0 : i32
    %c0_i32_1 = arith.constant 0 : i32
    return %arg0, %c0_i32, %c0_i32_0 : i32, i32, i32
  }
  func.func @transform_1(%arg0: i32) -> (i32, i32, i32, i32) {
    %c0_i32 = arith.constant 0 : i32
    %c0_i32_0 = arith.constant 0 : i32
    %c0_i32_1 = arith.constant 0 : i32
    %c0_i32_2 = arith.constant 0 : i32
    return %arg0, %c0_i32, %c0_i32_0, %c0_i32_1 : i32, i32, i32, i32
  }
  func.func @transform_2(%arg0: i32) -> (i32, i32, i32) {
    %c0_i32 = arith.constant 0 : i32
    %c0_i32_0 = arith.constant 0 : i32
    %c0_i32_1 = arith.constant 0 : i32
    return %arg0, %c0_i32, %c0_i32_0 : i32, i32, i32
  }
  func.func @transform_3(%arg0: i32) -> (i32, i32) {
    %c0_i32 = arith.constant 0 : i32
    %c0_i32_0 = arith.constant 0 : i32
    %c0_i32_1 = arith.constant 0 : i32
    return %c0_i32, %c0_i32_0 : i32, i32
  }
}

</mosaic_0001>

<sc_bundles>
// kernel: kernel.5.cloned.1.call-start
scs
__scs_entry_jumppad:
0x0: {  	(pc) =	sbr.rel $0x88, $3  }
0x1: {  	(tag) =	ssettag $0x0;
	lr =	simm.s32 $0x1  }
0x2: {  	[smem:$0x3F9F] =	sst lr;
	_ =	strace $0xD0000000  }
0x3: {  	_ = 	snop  }
0x4: {  	_ = 	snop  }
0x5: {  	_ = 	snop  }
0x6: {  	_ = 	snop  }
0x7: {  	_ = 	snop  }
__scs_overlays_trampoline_lowered:
0x8: {  	[smem:$0x3FAE] =	sst s0  }
0x9: {  	[smem:$0x3FAF] =	sst s1  }
0xa: {  	[smem:$0x3FB0] =	sst s2  }
0xb: {  	[smem:$0x3FB1] =	sst s3  }
0xc: {  	[smem:$0x3FB2] =	sst s4  }
0xd: {  	[smem:$0x3FB3] =	sst s5  }
0xe: {  	[smem:$0x3FB4] =	sst s6  }
0xf: {  	[smem:$0x3FB5] =	sst s7  }
0x10: {  	[smem:$0x3FB6] =	sst s8  }
0x11: {  	[smem:$0x3FB7] =	sst s9;
	s0 =	simm.s32 @!p0 $0x0  }
0x12: {  	s1 =	sld [smem:$0x3F9D];
	s0 =	simm.s32 @p0 $0x1  }
0x13: {  	[smem:$0x3FB8] =	sst s0;
	s0 =	simm.s32 @!p1 $0x0  }
0x14: {  	s2 =	sld [smem:$0x3F9C];
	s0 =	simm.s32 @p1 $0x1  }
0x15: {  	[smem:$0x3FB9] =	sst s0;
	s0 =	simm.s32 @!p2 $0x0  }
0x16: {  	s3 =	sld [smem:$0x3FDB];
	s0 =	simm.s32 @p2 $0x1  }
0x17: {  	s4 =	simm.s32 $0x1BF5;
	[smem:$0x3FBB] =	sst s0  }
0x18: {  	s0 =	sld [smem:$0x3F9E];
	_ =	swait.ge [sflag:s4], $0x0  }
0x19: {  	s7 =	sld [smem:$0x3F9F]  }
0x1a: {  	s8 =	sadd.s32 $0xFFFFE003, lr  }
0x1b: {  	s9 =	sadd.s32 $0xFFFFFEF7, lr;
	s5 =	simm.s32 $0xFFFFFFFF;
	p2 =	slt.u32 s8, $0xFFFFF086  }
0x1c: {  	p1 =	slt.u32 s9, $0xF7A;
	s5 =	simm.s32 @!p2 $0x0  }
0x1d: {  	s5 =	simm.s32 @p1 $0x1;
	p0 =	seq.s32 s7, s2  }
0x1e: {  	s7 =	smul.u32 @!p0 $0xF7A, s2;
	p2 =	seq.s32 @!p0 s5, $0x0  }
0x1f: {  	s9 =	smul.u32 $0xF7A, s1;
	s8 =	simm.s32 @!p0 $0x1BF5;
	p2 =	por !p2, p0  }
0x20: {  	[sflag:s8] =	ssyncset.s32 @!p0 $0xFFFFF086;
	s6 =	sadd.s32 @!p0 s3, s7;
	s7 =	simm.s32 @!p0 $0x108  }
0x21: {  	s3 =	sadd.s32 s3, s9;
	s6 =	sadd.s32 @!p0 $0x88, s6;
	s7 =	simm.s32 @p2 $0x1082  }
0x22: {  	[simem:s7], [sflag:s8] =	dma.local @!p0 [hbm:s6], $0xF7A  }
0x23: {  	s9 =	sor.u32 $0xD0000000, s2;
	s6 =	simm.s32 $0x108;
	_ =	swait.ge @!p0 [sflag:s8], $0x0  }
0x24: {  	s3 =	sadd.s32 $0x88, s3;
	s6 =	simm.s32 @!p1 $0x1082;
	[sflag:s4] =	ssyncset.s32 $0xFFFFF086  }
0x25: {  	[simem:s6], [sflag:s4] =	dma.local [hbm:s3], $0xF7A  }
0x26: {  	[smem:$0x3F9F] =	sst s1;
	(tag) =	ssettag s2;
	_ =	strace s9  }
0x27: {  	s1 =	sld [smem:$0x3FAF]  }
0x28: {  	s2 =	sld [smem:$0x3FB0]  }
0x29: {  	s4 =	sld [smem:$0x3FB2]  }
0x2a: {  	p0 =	seq.s32 s5, $0x0;
	s5 =	sld [smem:$0x3FB3]  }
0x2b: {  	s6 =	sld [smem:$0x3FB4]  }
0x2c: {  	s7 =	sld [smem:$0x3FB5]  }
0x2d: {  	s3 =	simm.s32 $0x108;
	s8 =	sld [smem:$0x3FB6]  }
0x2e: {  	s3 =	simm.s32 @!p0 $0x1082;
	s9 =	sld [smem:$0x3FB7]  }
0x2f: {  	lr =	sadd.s32 s0, s3;
	s0 =	sld [smem:$0x3FAE]  }
0x30: {  	s3 =	sld [smem:$0x3FB1]  }
0x31: {  	[smem:$0x3FBA] =	sst s10  }
0x32: {  	s10 =	sld [smem:$0x3FB8];
	_ =	sdelay $0x3  }
0x33: {  	p0 =	seq.s32 s10, $0x1;
	s10 =	sld [smem:$0x3FBA];
	_ =	sdelay $0x3  }
0x34: {  	[smem:$0x3FBA] =	sst s10  }
0x35: {  	s10 =	sld [smem:$0x3FB9];
	_ =	sdelay $0x3  }
0x36: {  	p1 =	seq.s32 s10, $0x1;
	s10 =	sld [smem:$0x3FBA];
	_ =	sdelay $0x3  }
0x37: {  	[smem:$0x3FBA] =	sst s10  }
0x38: {  	s10 =	sld [smem:$0x3FBB]  }
0x39: {  	_ = 	snop;
	(pc) =	sbr.ind lr, $3  }
0x3a: {  	_ = 	snop  }
0x3b: {  	_ = 	snop  }
0x3c: {  	p2 =	seq.s32 s10, $0x1;
	s10 =	sld [smem:$0x3FBA]  }
0x3d: {  	_ =	shalt  }
0x3e: {  	_ =	shalt  }
0x3f: {  	_ =	shalt  }
0x40: {  	_ =	shalt  }
0x41: {  	_ =	shalt  }
0x42: {  	_ =	shalt  }
0x43: {  	_ =	shalt  }
0x44: {  	_ =	shalt  }
0x45: {  	_ =	shalt  }
0x46: {  	_ =	shalt  }
0x47: {  	_ =	shalt  }
0x48: {  	_ =	shalt  }
0x49: {  	_ =	shalt  }
0x4a: {  	_ =	shalt  }
0x4b: {  	_ =	shalt  }
0x4c: {  	_ =	shalt  }
0x4d: {  	_ =	shalt  }
0x4e: {  	_ =	shalt  }
0x4f: {  	_ =	shalt  }
0x50: {  	_ =	shalt  }
0x51: {  	_ =	shalt  }
0x52: {  	_ =	shalt  }
0x53: {  	_ =	shalt  }
0x54: {  	_ =	shalt  }
0x55: {  	_ =	shalt  }
0x56: {  	_ =	shalt  }
0x57: {  	_ =	shalt  }
0x58: {  	_ =	shalt  }
0x59: {  	_ =	shalt  }
0x5a: {  	_ =	shalt  }
0x5b: {  	_ =	shalt  }
0x5c: {  	_ =	shalt  }
0x5d: {  	_ =	shalt  }
0x5e: {  	_ =	shalt  }
0x5f: {  	_ =	shalt  }
0x60: {  	_ =	shalt  }
0x61: {  	_ =	shalt  }
0x62: {  	_ =	shalt  }
0x63: {  	_ =	shalt  }
0x64: {  	_ =	shalt  }
0x65: {  	_ =	shalt  }
0x66: {  	_ =	shalt  }
0x67: {  	_ =	shalt  }
0x68: {  	_ =	shalt  }
0x69: {  	_ =	shalt  }
0x6a: {  	_ =	shalt  }
0x6b: {  	_ =	shalt  }
0x6c: {  	_ =	shalt  }
0x6d: {  	_ =	shalt  }
0x6e: {  	_ =	shalt  }
0x6f: {  	_ =	shalt  }
0x70: {  	_ =	shalt  }
0x71: {  	_ =	shalt  }
0x72: {  	_ =	shalt  }
0x73: {  	_ =	shalt  }
0x74: {  	_ =	shalt  }
0x75: {  	_ =	shalt  }
0x76: {  	_ =	shalt  }
0x77: {  	_ =	shalt  }
0x78: {  	_ =	shalt  }
0x79: {  	_ =	shalt  }
0x7a: {  	_ =	shalt  }
0x7b: {  	_ =	shalt  }
0x7c: {  	_ =	shalt  }
0x7d: {  	_ =	shalt  }
0x7e: {  	_ =	shalt  }
0x7f: {  	_ =	shalt  }
0x80: {  	_ =	shalt  }
0x81: {  	_ =	shalt  }
0x82: {  	_ =	shalt  }
0x83: {  	_ =	shalt  }
0x84: {  	_ =	shalt  }
0x85: {  	_ =	shalt  }
0x86: {  	_ =	shalt  }
0x87: {  	_ =	shalt  }
.Lfunc_end0:
.L_simem_size_0:
called_computation_lowered:
.L_overlay_start_0:
0x88: {  	s2 =	sld [smem:$0x3FD9]  }
0x89: {  	s3 =	sld [smem:$0x3FFE];
	_ =	sdelay $0x1  }
0x8a: {  	s1 =	srdreg.scid  }
0x8b: {  	s0 =	sand.u32 $0x1, s1  }
0x8c: {  	s14 =	sshll.u32 s0, $0xA;
	s2 =	sadd.s32 s3, s2  }
0x8d: {  	s2 =	sadd.s32 s2, s14  }
0x8e: {  	[smem:$0x3FC6] =	sst s2  }
0x8f: {  	_ = 	snop  }
0x90: {  	s2 =	sld [smem:$0x3FD0];
	_ =	sdelay $0x2  }
0x91: {  	s15 =	simm.s32 $0xA;
	s4 =	simm.s32 $0x10  }
0x92: {  	[smem:s4], [sflag:s15] =	dma.local [hbm:s2], $0x1  }
0x93: {  	_ =	swait.eq [sflag:s15], $0x1  }
0x94: {  	[sflag:s15] =	ssyncset.done $0x0  }
0x95: {  	[sflag:s15] =	ssyncadd.s32 $0xFFFFFFFF  }
0x96: {  	s16 =	sld [smem:$0x10];
	(tm) =	ssettm $0x1  }
0x97: {  	s17 =	sld [smem:$0x3FFB];
	_ =	sdelay $0x3  }
0x98: {  	_ =	strace s17  }
0x99: {  	s3 =	sld [smem:$0x3FFC];
	_ =	sdelay $0x3  }
0x9a: {  	_ =	strace s3  }
0x9b: {  	s3 =	sld [smem:$0x3FFD];
	_ =	sdelay $0x3  }
0x9c: {  	_ =	strace s3  }
0x9d: {  	_ =	strace $0x8FFFFFFF  }
0x9e: {  	s18 =	sld [smem:$0x3FDB];
	_ =	sdelay $0x1  }
0x9f: {  	s19 =	simm.s32 $_scs_section_size  }
0xa0: {  	s5 =	simm.s32 $_size__tile_overlayer_lowered;
	s6 =	simm.s32 $_tile_overlayer_lowered  }
0xa1: {  	s22 =	simm.s32 $0x1BFF;
	s21 =	sshll.u32 s6, $0x1;
	s3 =	sadd.s32 s19, s18  }
0xa2: {  	s7 =	simm.s32 $0x0;
	s20 =	sshll.u32 s5, $0x1;
	s5 =	sadd.s32 s21, s3  }
0xa3: {  	[timem:s7], [sflag:s22] =	dma.local [hbm:s5], s20  }
0xa4: {  	_ =	swait.ge [sflag:s22], s20  }
0xa5: {  	s4 =	ssub.s32 $0x0, s20;
	[sflag:s22] =	ssyncset.done $0x0  }
0xa6: {  	[sflag:s22] =	ssyncadd.s32 s4;
	_ =	sdelay $0x1  }
0xa7: {  	s23 =	simm.s32 $0x1B8B  }
0xa8: {  	_ =	swait.ge [sflag:s23], $0x1  }
0xa9: {  	[sflag:s23] =	ssyncset.done $0x0  }
0xaa: {  	s25 =	simm.s32 $0x1B8E;
	s24 =	sld [smem:$0x3FFE];
	[sflag:s23] =	ssyncadd.s32 $0xFFFFFFFF  }
0xab: {  	s26 =	simm.s32 $execute0_lowered;
	[smem:$0x3FD2] =	sst s25  }
0xac: {  	s5 =	sshll.u32 s26, $0x1;
	_ =	strace $0x80000046;
	[dreg:$0x1] =	wrdreg $0xFFFFFFFF  }
0xad: {  	s28 =	simm.s32 $_size_execute0_lowered;
	s3 =	sadd.s32 s3, s5;
	[dreg:$0x0] =	wrdreg $0x0  }
0xae: {  	s5 =	sshll.u32 s28, $0x1;
	[dreg:$0x2] =	wrdreg s3  }
0xaf: {  	[dreg:$0x3] =	wrdreg s5  }
0xb0: {  	[dreg:$0x4] =	wrdreg $0xC0  }
0xb1: {  	_ =	task [dreg:s7], $0x5FFFF  }
0xb2: {  	[dreg:$0x1] =	wrdreg $0xFFFFFFFF  }
0xb3: {  	[dreg:$0x0] =	wrdreg $0x60  }
0xb4: {  	[dreg:$0x2] =	wrdreg s24  }
0xb5: {  	[dreg:$0x3] =	wrdreg s16  }
0xb6: {  	[dreg:$0x4] =	wrdreg $0x9  }
0xb7: {  	_ =	task.clear_ibuf [dreg:s7], $0x5FFFF;
	_ =	strace $0x90000046  }
0xb8: {  	s29 =	simm.s32 $0x9;
	_ =	strace $0x8000004D  }
0xb9: {  	_ =	swait.ge [sflag:s29], $0x1  }
0xba: {  	[sflag:s29] =	ssyncadd.s32 $0xFFFFFFFF  }
0xbb: {  	_ =	strace $0x9000004D  }
0xbc: {  	_ =	sfence  }
0xbd: {  	s30 =	sld [smem:$0x0];
	_ =	sdelay $0x2  }
0xbe: {  	s31 =	sshll.u32 s1, $0xD;
	s1 =	sshrl.u32 s1, $0x2  }
0xbf: {  	s3 =	sand.u32 $0x4000, s31;
	s1 =	sadd.s32 s1, s30  }
0xc0: {  	s0 =	sor.u32 s3, s0;
	s1 =	sshll.u32 s1, $0x11  }
0xc1: {  	s0 =	sor.u32 s1, s0  }
0xc2: {  	s0 =	sadd.s32 $0x8F2B, s0  }
0xc3: {  	[sflag:s0] =	ssyncadd.remote.s32 $0x1  }
0xc4: {  	_ =	sfence.sel $0xFFFF  }
0xc5: {  	[dreg:$0x0] =	wrdreg $0xFFFFFFFF;
	(pc) =	sbr.abs _section_cstart, $3  }
0xc6: {  	[dreg:$0x1] =	wrdreg $0xFFFFFFFF  }
0xc7: {  	_ =	task.clear_ibuf [dreg:s7], $0x2FFFF;
	_ =	strace $0x9FFFFFFF  }
0xc8: {  	(tm) =	ssettm $0x7FFFFFFF  }
0xc9: {  	_ =	shalt  }
tec
execute0_lowered:
.L_overlay_start_1:
0x0: {  	(tag) =	ssettag $0x1  }
0x1: {  	s9 =	rddreg [dreg:$0x0];
	s2 =	srdreg.scid  }
0x2: {  	s3 =	rddreg [dreg:$0x1];
	s1 =	stileid.u32;
	s10 =	sand.u32 $0x1, s2  }
0x3: {  	s2 =	simm.s32 $0x0;
	s5 =	sshll.u32 s1, $0x8;
	s4 =	sshll.u32 s10, $0xC  }
0x4: {  	[smem:$0x7FF] =	sst s2;
	s11 =	sor.u32 s5, s4  }
0x5: {  	s0 =	rddreg [dreg:$0x2];
	_ =	strace $0x80000047;
	s4 =	sshrl.u32 s11, $0x3  }
0x6: {  	_ =	strace $0x80000048;
	s3 =	sadd.s32 s3, s4  }
0x7: {  	[tilespmem:s2], [sflag:$0x1] =	stream.linear.gather [hbm4b:s3+s2], $0x100, $0x200038;
	[tilespmem:$0x10200] =	vst v63  }
0x8: {  	_ =	strace $0x90000048  }
0x9: {  	s4 =	simm.s32 $0x1;
	_ =	strace $0x80000049  }
0xa: {  	_ =	swait.ge [sflag:s4], $0x100  }
0xb: {  	[sflag:s4] =	ssyncset.done $0x0  }
0xc: {  	[sflag:s4] =	ssyncadd.s32 $0xFFFFFF00  }
0xd: {  	s6 =	simm.s32 $0x100;
	s7 =	simm.s32 $0x200;
	_ =	strace $0x90000049  }
0xe: {  	s8 =	simm.s32 $0x5;
	s5 =	sadd.s32 $0xE00, s9;
	_ =	strace $0x8000004A  }
0xf: {  	[tilespmem:s7], [sflag:$0x5] =	stream.indirect.gather [hbm4b:s5+s6], $0x80, s2, s6, $0x2000b8;
	[tilespmem:$0x10200] =	vst v63  }
0x10: {  	s10 =	ssub.s32 $0x2, s10;
	_ =	swait.ge [sflag:s8], $0x8000  }
0x11: {  	s31 =	sshrl.u32 s10, $0x1;
	s11 =	sshll.u32 s11, $0x4;
	[sflag:s8] =	ssyncset.done $0x0  }
0x12: {  	s9 =	sadd.s32 s11, s9;
	s11 =	ssub.s32 s10, s31;
	[sflag:s8] =	ssyncadd.s32 $0xFFFF8000  }
0x13: {  	s11 =	smax.u32 s11, $0x1;
	_ =	strace $0x9000004A  }
0x14: {  	s9 =	sadd.s32 $0x20E00, s9;
	p0 =	sne.s32 s11, $0x1;
	_ =	strace $0x8000004B  }
0x15: {  	[hbm4b:s9+s2] =	stream.linear.scatter [tilespmem:s7], [sflag:$0x3], $0x8000, $0x200038;
	[tilespmem:$0x10200] =	vst v63  }
.Ltmp0:
0x16: {  	_ =	strace $0x9000004B;
	(pc) =	sbr.rel @!p0 .LBB2_2-.Ltmp0, $4  }
0x17: {  	s10 =	simm.s32 $0x3;
	_ =	strace $0x8000004C  }
0x18: {  	_ =	swait.ge [sflag:s10], $0x8000  }
0x19: {  	[sflag:s10] =	ssyncset.done $0x0  }
0x1a: {  	s11 =	sadd.s32 $0xFFFFFFFF, s11;
	[sflag:s10] =	ssyncadd.s32 $0xFFFF8000  }
.LBB2_1:
0x1b: {  	p0 =	sne.s32 s11, $0x1;
	s11 =	sadd.s32 $0xFFFFFFFF, s11;
	_ =	strace $0x9000004C  }
0x1c: {  	_ =	strace $0x80000048  }
0x1d: {  	[tilespmem:s2], [sflag:$0x1] =	stream.linear.gather [hbm4b:s3+s2], $0x100, $0x200038;
	[tilespmem:$0x10200] =	vst v63  }
0x1e: {  	_ =	strace $0x90000048  }
0x1f: {  	_ =	strace $0x80000049  }
0x20: {  	_ =	swait.ge [sflag:s4], $0x100  }
0x21: {  	[sflag:s4] =	ssyncset.done $0x0  }
0x22: {  	[sflag:s4] =	ssyncadd.s32 $0xFFFFFF00  }
0x23: {  	_ =	strace $0x90000049  }
0x24: {  	_ =	strace $0x8000004A  }
0x25: {  	[tilespmem:s7], [sflag:$0x5] =	stream.indirect.gather [hbm4b:s5+s6], $0x80, s2, s6, $0x2000b8;
	[tilespmem:$0x10200] =	vst v63  }
0x26: {  	_ =	swait.ge [sflag:s8], $0x8000  }
0x27: {  	[sflag:s8] =	ssyncset.done $0x0  }
0x28: {  	[sflag:s8] =	ssyncadd.s32 $0xFFFF8000  }
0x29: {  	_ =	strace $0x9000004A  }
0x2a: {  	_ =	strace $0x8000004B  }
0x2b: {  	[hbm4b:s9+s2] =	stream.linear.scatter [tilespmem:s7], [sflag:$0x3], $0x8000, $0x200038;
	[tilespmem:$0x10200] =	vst v63  }
.Ltmp1:
0x2c: {  	_ =	strace $0x9000004B;
	(pc) =	sbr.rel @p0 .LBB2_1-.Ltmp1, $4  }
0x2d: {  	_ =	strace $0x8000004C  }
0x2e: {  	_ =	swait.ge [sflag:s10], $0x8000  }
0x2f: {  	[sflag:s10] =	ssyncset.done $0x0  }
0x30: {  	[sflag:s10] =	ssyncadd.s32 $0xFFFF8000  }
.LBB2_2:
0x31: {  	_ =	strace $0x9000004C  }
0x32: {  	_ =	sfence.sel $0x180000  }
0x33: {  	[bflag:$0x0] =	sbarrier.arrive $0xFFFF  }
0x34: {  	p0 =	sne.s32 s1, $0x0;
	_ =	strace $0x90000047  }
0x35: {  	s0 =	sadd.s32 @!p0 $0x100000, s0;
	[bflag:$0x2] =	sbarrier.arrive $0xFFFF  }
0x36: {  	[sflag:s0] =	ssyncadd.tile.s32 @!p0 $0x1;
	_ =	shalt  }
.Lfunc_end2:
_tile_overlayer_lowered:
.L_overlay_start_2:
0x37: {  	(tag) =	ssettag $0x2  }
0x38: {  	s0 =	rddreg [dreg:$0x0];
	s2 =	stileid.u32  }
0x39: {  	s1 =	rddreg [dreg:$0x1];
	p0 =	sne.s32 s2, $0x0  }
0x3a: {  	s3 =	rddreg [dreg:$0x2];
	[bflag:$0x3] =	sbarrier.arrive $0xFFFF;
	s2 =	simm.s32 @!p0 $0x1C01  }
0x3b: {  	[timem:s3], [sflag:s2] =	dma.local @!p0 [hbm:s0], s1  }
0x3c: {  	s0 =	simm.s32 @!p0 $0x1  }
0x3d: {  	_ =	swait.ge @!p0 [sflag:s0], s1  }
0x3e: {  	s1 =	ssub.s32 @!p0 $0x0, s1;
	[sflag:s0] =	ssyncset.done @!p0 $0x0  }
0x3f: {  	[sflag:s0] =	ssyncadd.s32 @!p0 s1  }
0x40: {  	[bflag:$0x3] =	sbarrier.arrive $0xFFFF  }
0x41: {  	_ =	shalt  }

</sc_bundles>
